<compile_context>
chip_gen: v7x
topology: tpu7x:2x2x1
jax: 0.10.2.dev20260603
libtpu: 0.0.44.dev20260713+nightly
codegen_flags: <defaults>
</compile_context>

<pallas_src>
import functools

import jax
import jax.numpy as jnp
import numpy as np
from jax import lax
from jax.experimental import pallas as pl
from jax.experimental.pallas import tpu as pltpu
from jax.experimental.pallas import tpu_sc as plsc

H = 16
MAXD = 5
NUM_SPATIAL = 512
VOCAB = 1536 * 8 + 1
B, N = 32, 64
NPAIR = B * N * N

NW = 32
PPW = NPAIR // NW
CHUNK = 128
NCHUNK = PPW // CHUNK
EPC = CHUNK * 15
NSLICE = EPC // 128

_OFFPAT = np.array([((q % 15) // 3) for q in range(240)] + [0] * 16,
                   dtype=np.int32)


def _spfac(sp):
    s = jnp.where(sp == 0, 1, sp)
    s = jnp.where(s > 1, s - 1, s)
    return jnp.clip(s, 0, MAXD)


def _build_tables(edge_enc_w, edge_dis_w, spatial_enc_w):

    def body(e_ref, w_ref, s_ref, r_ref, s2_ref):
        Wd = w_ref[...].reshape(-1, H, H)[:MAXD]
        Wcat = jnp.transpose(Wd, (1, 0, 2)).reshape(H, MAXD * H) / 3.0
        r_ref[...] = jnp.dot(e_ref[...], Wcat,
                             preferred_element_type=jnp.float32)
        s_iota = lax.broadcasted_iota(jnp.int32, (NUM_SPATIAL,), 0)
        fac = _spfac(s_iota).astype(jnp.float32)
        s2_ref[...] = s_ref[...] * fac[:, None]

    return pl.pallas_call(
        body,
        out_shape=(jax.ShapeDtypeStruct((VOCAB, MAXD * H), jnp.float32),
                   jax.ShapeDtypeStruct((NUM_SPATIAL, H), jnp.float32)),
    )(edge_enc_w, edge_dis_w, spatial_enc_w)


def _sc_gather(t_edge, t_sp, ein, sp, offpat):
    mesh = plsc.VectorSubcoreMesh(core_axis_name="c", subcore_axis_name="s")

    @functools.partial(
        pl.kernel,
        mesh=mesh,
        compiler_params=pltpu.CompilerParams(use_tc_tiling_on_sc=False),
        out_type=jax.ShapeDtypeStruct((NW, PPW, H), jnp.float32),
        scratch_types=[
            pltpu.VMEM((NSLICE, 128), jnp.int32),
            pltpu.VMEM((NSLICE, 128), jnp.int32),
            pltpu.VMEM((CHUNK,), jnp.int32),
            pltpu.VMEM((CHUNK,), jnp.int32),
            pltpu.VMEM((EPC, H), jnp.float32),
            pltpu.VMEM((EPC, H), jnp.float32),
            pltpu.VMEM((CHUNK, H), jnp.float32),
            pltpu.VMEM((CHUNK, H), jnp.float32),
            pltpu.VMEM((CHUNK, H), jnp.float32),
            pltpu.VMEM((CHUNK, H), jnp.float32),
            pltpu.VMEM((256,), jnp.int32),
            pltpu.SemaphoreType.DMA,
            pltpu.SemaphoreType.DMA,
            pltpu.SemaphoreType.DMA,
            pltpu.SemaphoreType.DMA,
        ],
    )
    def k(te_hbm, ts_hbm, ein_hbm, sp_hbm, off_hbm, out_hbm,
          eidx0, eidx1, spb0, spb1, erows0, erows1, srows0, srows1,
          tbuf0, tbuf1, offv, gsem0, gsem1, osem0, osem1):
        w = lax.axis_index("s") * 2 + lax.axis_index("c")
        pltpu.sync_copy(off_hbm, offv)

        def prep_fire(c, eidx, spb, erows, srows, gsem):
            pltpu.sync_copy(ein_hbm.at[w, c], eidx)
            pltpu.sync_copy(sp_hbm.at[w, c], spb)

            def off_body(j, q):
                r = j // 8
                col = (j % 8) * 16
                v = eidx[r, pl.ds(col, 16)]
                o = offv[pl.ds(q, 16)]
                eidx[r, pl.ds(col, 16)] = v * 5 + o
                q = q + 16
                return jnp.where(q >= 240, q - 240, q)

            lax.fori_loop(0, EPC // 16, off_body, 0)
            for s in range(NSLICE):
                pltpu.async_copy(te_hbm.at[eidx.at[s]],
                                 erows.at[pl.ds(s * 128, 128)], gsem)
            pltpu.async_copy(ts_hbm.at[spb], srows, gsem)

        def wait_gathers(erows, srows, gsem):
            pltpu.make_async_copy(te_hbm.at[pl.ds(0, EPC)], erows, gsem).wait()
            pltpu.make_async_copy(ts_hbm.at[pl.ds(0, CHUNK)], srows,
                                  gsem).wait()

        def accum(erows, srows, tbuf):
            def pair_body(j, _):
                for u in range(2):
                    p = j * 2 + u
                    base = p * 15
                    acc = srows[p]
                    for r in range(15):
                        acc = acc + erows[base + r]
                    tbuf[p] = acc
                return 0

            lax.fori_loop(0, CHUNK // 2, pair_body, 0)

        def fire_out(c, tbuf, osem):
            pltpu.async_copy(tbuf, out_hbm.at[w, pl.ds(c * CHUNK, CHUNK)],
                             osem)

        def wait_out(tbuf, osem):
            pltpu.make_async_copy(
                tbuf, out_hbm.at[w, pl.ds(0, CHUNK)], osem).wait()

        prep_fire(0, eidx0, spb0, erows0, srows0, gsem0)

        def step(kk, _):
            c0 = 2 * kk
            prep_fire(c0 + 1, eidx1, spb1, erows1, srows1, gsem1)
            wait_gathers(erows0, srows0, gsem0)

            @pl.when(kk > 0)
            def _():
                wait_out(tbuf0, osem0)

            accum(erows0, srows0, tbuf0)
            fire_out(c0, tbuf0, osem0)

            @pl.when(kk < NCHUNK // 2 - 1)
            def _():
                prep_fire(c0 + 2, eidx0, spb0, erows0, srows0, gsem0)

            wait_gathers(erows1, srows1, gsem1)

            @pl.when(kk > 0)
            def _():
                wait_out(tbuf1, osem1)

            accum(erows1, srows1, tbuf1)
            fire_out(c0 + 1, tbuf1, osem1)
            return 0

        lax.fori_loop(0, NCHUNK // 2, step, 0)
        wait_out(tbuf0, osem0)
        wait_out(tbuf1, osem1)

    return k(t_edge, t_sp, ein, sp, offpat)


def _assemble(esum, sp2, attn_bias, vdist_w):

    def body(es_ref, sp_ref, ab_ref, vd_ref, out_ref):
        sp = sp_ref[0]
        scale = 1.0 / _spfac(sp).astype(jnp.float32)
        es = es_ref[0]
        interior = es * scale
        intt = interior.reshape(H, N, N)
        ab = ab_ref[0]
        t = vd_ref[0]
        out_ref[0, :, 1:, 1:] = 2.0 * ab[1:, 1:][None] + intt
        out_ref[0, :, 0:1, :] = 2.0 * ab[0:1, :][None] + t[:, None, None]
        out_ref[0, :, 1:, 0:1] = 2.0 * ab[1:, 0:1][None] + t[:, None, None]

    return pl.pallas_call(
        body,
        grid=(B,),
        in_specs=[
            pl.BlockSpec((1, H, N * N), lambda b: (b, 0, 0)),
            pl.BlockSpec((1, 1, N * N), lambda b: (b, 0, 0)),
            pl.BlockSpec((1, N + 1, N + 1), lambda b: (b, 0, 0)),
            pl.BlockSpec((1, H), lambda b: (0, 0)),
        ],
        out_specs=pl.BlockSpec((1, H, N + 1, N + 1), lambda b: (b, 0, 0, 0)),
        out_shape=jax.ShapeDtypeStruct((B, H, N + 1, N + 1), jnp.float32),
    )(esum, sp2, attn_bias, vdist_w)


def kernel(frag_feature, attn_bias, spatial_pos, edge_input, attn_edge_type,
           edge_enc_w, edge_dis_w, spatial_enc_w, vdist_w):
    del frag_feature, attn_edge_type
    R, S2 = _build_tables(edge_enc_w, edge_dis_w, spatial_enc_w)
    t_edge = R.reshape(VOCAB * MAXD, H)
    ein = edge_input.astype(jnp.int32).reshape(NW, NCHUNK, NSLICE, 128)
    sp = spatial_pos.astype(jnp.int32).reshape(NW, NCHUNK, CHUNK)
    offpat = jnp.asarray(_OFFPAT)
    esum = _sc_gather(t_edge, S2, ein, sp, offpat)
    esum_t = jnp.transpose(esum, (0, 2, 1))
    sp2 = spatial_pos.astype(jnp.int32).reshape(B, 1, N * N)
    return _assemble(esum_t, sp2, attn_bias, vdist_w)

# --- scband reference (transcript-rebuilt; emitter-appended) ---
"""Pipeline reference for scband-graph-attn-bias-3831110828529 (READ-ONLY COPY).

The authoritative reference and input builder live on the scoring server;
editing this copy changes nothing except your own understanding.
"""

import jax, jax.numpy as jnp
import numpy as np

NUM_HEADS = 16
MULTI_HOP_MAX_DIST = 5
NUM_EDGES = 1536
NUM_OFFSET = 8
NUM_SPATIAL = 512
NUM_EDGE_DIS = 128
B, N, D = 32, 64, 256
MAXD, EF = 5, 3
VOCAB = NUM_EDGES * NUM_OFFSET + 1


def setup_inputs(seed: int = 0) -> dict:
    key = jax.random.key(seed)
    ks = jax.random.split(key, 10)
    return {
        "frag_feature": jax.random.normal(ks[0], (B, N, D), dtype=jnp.float32),
        "attn_bias": jax.random.normal(ks[1], (B, N + 1, N + 1), dtype=jnp.float32),
        "spatial_pos": jax.random.randint(ks[2], (B, N, N), 0, NUM_SPATIAL),
        "edge_input": jax.random.randint(ks[3], (B, N, N, MAXD, EF), 0, VOCAB),
        "attn_edge_type": jax.random.randint(ks[4], (B, N, N, EF), 0, VOCAB),
        "edge_enc_w": jax.random.normal(ks[5], (VOCAB, NUM_HEADS), dtype=jnp.float32) * 0.02,
        "edge_dis_w": jax.random.normal(ks[6], (NUM_EDGE_DIS * NUM_HEADS * NUM_HEADS, 1), dtype=jnp.float32) * 0.02,
        "spatial_enc_w": jax.random.normal(ks[7], (NUM_SPATIAL, NUM_HEADS), dtype=jnp.float32) * 0.02,
        "vdist_w": jax.random.normal(ks[8], (1, NUM_HEADS), dtype=jnp.float32) * 0.02,
    }


def reference(frag_feature, attn_bias, spatial_pos, edge_input, attn_edge_type, edge_enc_w, edge_dis_w, spatial_enc_w, vdist_w):
    n_graph, n_frag = frag_feature.shape[0], frag_feature.shape[1]
    H = NUM_HEADS
    gab = jnp.repeat(attn_bias[:, None, :, :], H, axis=1)
    # spatial position bias (embedding gather)
    spb = jnp.take(spatial_enc_w, spatial_pos, axis=0)  # [B,N,N,H]
    spb = jnp.transpose(spb, (0, 3, 1, 2))
    gab = gab.at[:, :, 1:, 1:].add(spb)
    t = vdist_w.reshape(1, H, 1)
    gab = gab.at[:, :, 1:, 0].add(t)
    gab = gab.at[:, :, 0, :].add(t)
    # multi_hop edge encoding
    sp_ = jnp.where(spatial_pos == 0, 1, spatial_pos)
    sp_ = jnp.where(sp_ > 1, sp_ - 1, sp_)
    sp_ = jnp.clip(sp_, 0, MULTI_HOP_MAX_DIST)
    ei = edge_input[:, :, :, :MULTI_HOP_MAX_DIST, :]
    ei = jnp.take(edge_enc_w, ei, axis=0).mean(-2)  # [B,N,N,maxd,H]
    max_dist = ei.shape[-2]
    eif = jnp.transpose(ei, (3, 0, 1, 2, 4)).reshape(max_dist, -1, H)
    W = edge_dis_w.reshape(-1, H, H)[:max_dist, :, :]
    eif = jnp.einsum('dnh,dhk->dnk', eif, W)
    ei = eif.reshape(max_dist, n_graph, n_frag, n_frag, H)
    ei = jnp.transpose(ei, (1, 2, 3, 0, 4))
    ei = ei.sum(-2) / sp_.astype(jnp.float32)[..., None]
    ei = jnp.transpose(ei, (0, 3, 1, 2))
    gab = gab.at[:, :, 1:, 1:].add(ei)
    gab = gab + attn_bias[:, None, :, :]
    return gab

if __name__ == "__main__":
    import jax
    _d = setup_inputs()
    print(jax.jit(kernel)(*tuple(_d.values())))

</pallas_src>

<mosaic_0001>
#map = affine_map<(d0, d1) -> (0, 0)>
#map1 = affine_map<(d0, d1) -> (0, 0, 0, 0)>
#map2 = affine_map<(d0, d1) -> (0, 0, 0)>
#map3 = affine_map<(d0, d1) -> (0)>
module attributes {stable_mosaic.version = 14 : i64} {
  func.func @k(%arg0: i32, %arg1: i32, %arg2: memref<61445x16xf32, #tpu.memory_space<hbm>>, %arg3: memref<512x16xf32, #tpu.memory_space<hbm>>, %arg4: memref<32x32x15x128xi32, #tpu.memory_space<hbm>>, %arg5: memref<32x32x128xi32, #tpu.memory_space<hbm>>, %arg6: memref<256xi32, #tpu.memory_space<hbm>>, %arg7: memref<32x4096x16xf32, #tpu.memory_space<hbm>>, %arg8: memref<15x128xi32, #tpu.memory_space<vmem>>, %arg9: memref<15x128xi32, #tpu.memory_space<vmem>>, %arg10: memref<128xi32, #tpu.memory_space<vmem>>, %arg11: memref<128xi32, #tpu.memory_space<vmem>>, %arg12: memref<1920x16xf32, #tpu.memory_space<vmem>>, %arg13: memref<1920x16xf32, #tpu.memory_space<vmem>>, %arg14: memref<128x16xf32, #tpu.memory_space<vmem>>, %arg15: memref<128x16xf32, #tpu.memory_space<vmem>>, %arg16: memref<128x16xf32, #tpu.memory_space<vmem>>, %arg17: memref<128x16xf32, #tpu.memory_space<vmem>>, %arg18: memref<256xi32, #tpu.memory_space<vmem>>, %arg19: memref<!tpu.dma_semaphore, #tpu.memory_space<semaphore_mem>>, %arg20: memref<!tpu.dma_semaphore, #tpu.memory_space<semaphore_mem>>, %arg21: memref<!tpu.dma_semaphore, #tpu.memory_space<semaphore_mem>>, %arg22: memref<!tpu.dma_semaphore, #tpu.memory_space<semaphore_mem>>) attributes {dimension_semantics = [#tpu.dimension_semantics<core_parallel>, #tpu.dimension_semantics<subcore_parallel>], iteration_bounds = array<i64: 2, 16>, scalar_prefetch = 0 : i64, scratch_operands = 15 : i64, tpu.core_type = #tpu.core_type<sc_vector_subcore>, window_params = [{transform_indices = #map}, {transform_indices = #map}, {transform_indices = #map1}, {transform_indices = #map2}, {transform_indices = #map3}, {transform_indices = #map2}]} {
    %mul3A = arith.constant 2 : i32
    %mul3A_0 = arith.muli %arg1, %mul3A : i32
    %add3A = arith.addi %mul3A_0, %arg0 : i32
    "tpu.region"() ({
      %run_scoped3A_182 = tpu.sem_alloc : memref<!tpu.dma_semaphore, #tpu.memory_space<semaphore_mem>>
      tpu.enqueue_dma source(%arg6 : memref<256xi32, #tpu.memory_space<hbm>>) target(%arg18 : memref<256xi32, #tpu.memory_space<vmem>>) target_semaphore(%run_scoped3A_182 : memref<!tpu.dma_semaphore, #tpu.memory_space<semaphore_mem>>)
      tpu.wait_dma2 semaphore(%run_scoped3A_182 : memref<!tpu.dma_semaphore, #tpu.memory_space<semaphore_mem>>) src(%arg6 : memref<256xi32, #tpu.memory_space<hbm>>) dst(%arg18 : memref<256xi32, #tpu.memory_space<vmem>>)
      tpu.yield
    }) : () -> ()
    %run_scoped3A = arith.constant 0 : i32
    "tpu.region"() ({
      %run_scoped3A_182 = tpu.sem_alloc : memref<!tpu.dma_semaphore, #tpu.memory_space<semaphore_mem>>
      %dma_start3A_183 = arith.constant 0 : i32
      %dma_start3A_184 = arith.constant 0 : i32
      %dma_start3A_185 = tpu.memref_slice %arg4[%add3A, %run_scoped3A, %dma_start3A_183, %dma_start3A_184] : memref<32x32x15x128xi32, #tpu.memory_space<hbm>> -> memref<1x1x15x128xi32, #tpu.memory_space<hbm>>
      %dma_start3A_186 = tpu.memref_squeeze %dma_start3A_185 : memref<1x1x15x128xi32, #tpu.memory_space<hbm>> -> memref<15x128xi32, #tpu.memory_space<hbm>>
      %dma_start3A_187 = arith.constant 0 : i32
      %dma_start3A_188 = arith.constant 0 : i32
      %dma_start3A_189 = tpu.memref_slice %arg4[%add3A, %run_scoped3A, %dma_start3A_187, %dma_start3A_188] : memref<32x32x15x128xi32, #tpu.memory_space<hbm>> -> memref<1x1x15x128xi32, #tpu.memory_space<hbm>>
      %dma_start3A_190 = tpu.memref_squeeze %dma_start3A_189 : memref<1x1x15x128xi32, #tpu.memory_space<hbm>> -> memref<15x128xi32, #tpu.memory_space<hbm>>
      tpu.enqueue_dma source(%dma_start3A_190 : memref<15x128xi32, #tpu.memory_space<hbm>>) target(%arg8 : memref<15x128xi32, #tpu.memory_space<vmem>>) target_semaphore(%run_scoped3A_182 : memref<!tpu.dma_semaphore, #tpu.memory_space<semaphore_mem>>)
      %dma_wait3A_191 = arith.constant 0 : i32
      %dma_wait3A_192 = arith.constant 0 : i32
      %dma_wait3A_193 = tpu.memref_slice %arg4[%add3A, %run_scoped3A, %dma_wait3A_191, %dma_wait3A_192] : memref<32x32x15x128xi32, #tpu.memory_space<hbm>> -> memref<1x1x15x128xi32, #tpu.memory_space<hbm>>
      %dma_wait3A_194 = tpu.memref_squeeze %dma_wait3A_193 : memref<1x1x15x128xi32, #tpu.memory_space<hbm>> -> memref<15x128xi32, #tpu.memory_space<hbm>>
      %dma_wait3A_195 = arith.constant 0 : i32
      %dma_wait3A_196 = arith.constant 0 : i32
      %dma_wait3A_197 = tpu.memref_slice %arg4[%add3A, %run_scoped3A, %dma_wait3A_195, %dma_wait3A_196] : memref<32x32x15x128xi32, #tpu.memory_space<hbm>> -> memref<1x1x15x128xi32, #tpu.memory_space<hbm>>
      %dma_wait3A_198 = tpu.memref_squeeze %dma_wait3A_197 : memref<1x1x15x128xi32, #tpu.memory_space<hbm>> -> memref<15x128xi32, #tpu.memory_space<hbm>>
      tpu.wait_dma2 semaphore(%run_scoped3A_182 : memref<!tpu.dma_semaphore, #tpu.memory_space<semaphore_mem>>) src(%dma_wait3A_198 : memref<15x128xi32, #tpu.memory_space<hbm>>) dst(%arg8 : memref<15x128xi32, #tpu.memory_space<vmem>>)
      tpu.yield
    }) : () -> ()
    %run_scoped3A_1 = arith.constant 0 : i32
    "tpu.region"() ({
      %run_scoped3A_182 = tpu.sem_alloc : memref<!tpu.dma_semaphore, #tpu.memory_space<semaphore_mem>>
      %dma_start3A_183 = arith.constant 0 : i32
      %dma_start3A_184 = tpu.memref_slice %arg5[%add3A, %run_scoped3A_1, %dma_start3A_183] : memref<32x32x128xi32, #tpu.memory_space<hbm>> -> memref<1x1x128xi32, #tpu.memory_space<hbm>>
      %dma_start3A_185 = tpu.memref_squeeze %dma_start3A_184 : memref<1x1x128xi32, #tpu.memory_space<hbm>> -> memref<128xi32, #tpu.memory_space<hbm>>
      %dma_start3A_186 = arith.constant 0 : i32
      %dma_start3A_187 = tpu.memref_slice %arg5[%add3A, %run_scoped3A_1, %dma_start3A_186] : memref<32x32x128xi32, #tpu.memory_space<hbm>> -> memref<1x1x128xi32, #tpu.memory_space<hbm>>
      %dma_start3A_188 = tpu.memref_squeeze %dma_start3A_187 : memref<1x1x128xi32, #tpu.memory_space<hbm>> -> memref<128xi32, #tpu.memory_space<hbm>>
      tpu.enqueue_dma source(%dma_start3A_188 : memref<128xi32, #tpu.memory_space<hbm>>) target(%arg10 : memref<128xi32, #tpu.memory_space<vmem>>) target_semaphore(%run_scoped3A_182 : memref<!tpu.dma_semaphore, #tpu.memory_space<semaphore_mem>>)
      %dma_wait3A_189 = arith.constant 0 : i32
      %dma_wait3A_190 = tpu.memref_slice %arg5[%add3A, %run_scoped3A_1, %dma_wait3A_189] : memref<32x32x128xi32, #tpu.memory_space<hbm>> -> memref<1x1x128xi32, #tpu.memory_space<hbm>>
      %dma_wait3A_191 = tpu.memref_squeeze %dma_wait3A_190 : memref<1x1x128xi32, #tpu.memory_space<hbm>> -> memref<128xi32, #tpu.memory_space<hbm>>
      %dma_wait3A_192 = arith.constant 0 : i32
      %dma_wait3A_193 = tpu.memref_slice %arg5[%add3A, %run_scoped3A_1, %dma_wait3A_192] : memref<32x32x128xi32, #tpu.memory_space<hbm>> -> memref<1x1x128xi32, #tpu.memory_space<hbm>>
      %dma_wait3A_194 = tpu.memref_squeeze %dma_wait3A_193 : memref<1x1x128xi32, #tpu.memory_space<hbm>> -> memref<128xi32, #tpu.memory_space<hbm>>
      tpu.wait_dma2 semaphore(%run_scoped3A_182 : memref<!tpu.dma_semaphore, #tpu.memory_space<semaphore_mem>>) src(%dma_wait3A_194 : memref<128xi32, #tpu.memory_space<hbm>>) dst(%arg10 : memref<128xi32, #tpu.memory_space<vmem>>)
      tpu.yield
    }) : () -> ()
    %scan3A = arith.constant 0 : i32
    %scan3A_2 = arith.constant 0 : i32
    %scan3A_3 = arith.constant 120 : i32
    %scan3A_4 = arith.addi %scan3A_2, %scan3A_3 : i32
    %scan3A_5 = arith.constant 1 : i32
    %scan3A_6 = scf.for %scan3A_182 = %scan3A_2 to %scan3A_4 step %scan3A_5 iter_args(%scan3A_183 = %scan3A) -> (i32)  : i32 {
      %jit3A = arith.constant 8 : i32
      %div3A = arith.divsi %scan3A_182, %jit3A : i32
      %sign3A = arith.constant 0 : i32
      %sign3A_184 = arith.cmpi sgt, %scan3A_182, %sign3A : i32
      %sign3A_185 = arith.extui %sign3A_184 : i1 to i32
      %sign3A_186 = arith.constant 0 : i32
      %sign3A_187 = arith.cmpi slt, %scan3A_182, %sign3A_186 : i32
      %sign3A_188 = arith.extui %sign3A_187 : i1 to i32
      %sign3A_189 = arith.subi %sign3A_185, %sign3A_188 : i32
      %sign3A_190 = arith.constant 0 : i32
      %sign3A_191 = arith.cmpi sgt, %jit3A, %sign3A_190 : i32
      %sign3A_192 = arith.extui %sign3A_191 : i1 to i32
      %sign3A_193 = arith.constant 0 : i32
      %sign3A_194 = arith.cmpi slt, %jit3A, %sign3A_193 : i32
      %sign3A_195 = arith.extui %sign3A_194 : i1 to i32
      %sign3A_196 = arith.subi %sign3A_192, %sign3A_195 : i32
      %ne3A = arith.cmpi ne, %sign3A_189, %sign3A_196 : i32
      %rem3A = arith.remsi %scan3A_182, %jit3A : i32
      %ne3A_197 = arith.constant 0 : i32
      %ne3A_198 = arith.cmpi ne, %rem3A, %ne3A_197 : i32
      %and3A = arith.andi %ne3A, %ne3A_198 : i1
      %sub3A = arith.constant 1 : i32
      %sub3A_199 = arith.subi %div3A, %sub3A : i32
      %select_n3A = arith.select %and3A, %sub3A_199, %div3A : i32
      %jit3A_200 = arith.constant 8 : i32
      %eq3A = arith.constant 0 : i32
      %eq3A_201 = arith.cmpi eq, %jit3A_200, %eq3A : i32
      %jit3A_202 = arith.constant 1 : i32
      %select_n3A_203 = arith.select %eq3A_201, %jit3A_202, %jit3A_200 : i32
      %rem3A_204 = arith.remsi %scan3A_182, %select_n3A_203 : i32
      %ne3A_205 = arith.constant 0 : i32
      %ne3A_206 = arith.cmpi ne, %rem3A_204, %ne3A_205 : i32
      %lt3A = arith.constant 0 : i32
      %lt3A_207 = arith.cmpi slt, %rem3A_204, %lt3A : i32
      %lt3A_208 = arith.constant 0 : i32
      %lt3A_209 = arith.cmpi slt, %select_n3A_203, %lt3A_208 : i32
      %ne3A_210 = arith.xori %lt3A_207, %lt3A_209 : i1
      %and3A_211 = arith.andi %ne3A_210, %ne3A_206 : i1
      %add3A_212 = arith.addi %rem3A_204, %select_n3A_203 : i32
      %select_n3A_213 = arith.select %and3A_211, %add3A_212, %rem3A_204 : i32
      %mul3A_214 = arith.constant 16 : i32
      %mul3A_215 = arith.muli %select_n3A_213, %mul3A_214 : i32
      %get3A = arith.index_cast %select_n3A : i32 to index
      %get3A_216 = arith.index_cast %mul3A_215 : i32 to index
      %get3A_217 = tpu.vector_load %arg8[%get3A, %get3A_216] {strides = array<i32>} : memref<15x128xi32, #tpu.memory_space<vmem>>, vector<1x16xi32>,
      %get3A_218 = vector.shape_cast %get3A_217 : vector<1x16xi32> to vector<16xi32>
      %get3A_219 = arith.index_cast %scan3A_183 : i32 to index
      %get3A_220 = tpu.vector_load %arg18[%get3A_219] {strides = array<i32>} : memref<256xi32, #tpu.memory_space<vmem>>, vector<16xi32>,
      %get3A_221 = vector.shape_cast %get3A_220 : vector<16xi32> to vector<16xi32>
      %mul3A_222 = arith.constant 5 : i32
      %mul3A_223 = vector.broadcast %mul3A_222 : i32 to vector<16xi32>
      %mul3A_224 = arith.muli %get3A_218, %mul3A_223 : vector<16xi32>
      %add3A_225 = arith.addi %mul3A_224, %get3A_221 : vector<16xi32>
      %swap3A = arith.index_cast %select_n3A : i32 to index
      %swap3A_226 = arith.index_cast %mul3A_215 : i32 to index
      %swap3A_227 = tpu.vector_load %arg8[%swap3A, %swap3A_226] {strides = array<i32>} : memref<15x128xi32, #tpu.memory_space<vmem>>, vector<1x16xi32>,
      %swap3A_228 = vector.shape_cast %swap3A_227 : vector<1x16xi32> to vector<16xi32>
      %swap3A_229 = vector.shape_cast %add3A_225 : vector<16xi32> to vector<1x16xi32>
      tpu.vector_store %arg8[%swap3A, %swap3A_226], %swap3A_229 {strides = array<i32>} : memref<15x128xi32, #tpu.memory_space<vmem>>, vector<1x16xi32>,
      %add3A_230 = arith.constant 16 : i32
      %add3A_231 = arith.addi %scan3A_183, %add3A_230 : i32
      %ge3A = arith.constant 240 : i32
      %ge3A_232 = arith.cmpi sge, %add3A_231, %ge3A : i32
      %sub3A_233 = arith.constant 240 : i32
      %sub3A_234 = arith.subi %add3A_231, %sub3A_233 : i32
      %select_n3A_235 = arith.select %ge3A_232, %sub3A_234, %add3A_231 : i32
      scf.yield %select_n3A_235 : i32
    }
    %scan3A_7 = arith.constant 120 : i32
    %dma_start3A = arith.constant 0 : i32
    %dma_start3A_8 = arith.constant 0 : i32
    %dma_start3A_9 = arith.constant 0 : i32
    %dma_start3A_10 = tpu.memref_slice %arg12[%dma_start3A_8, %dma_start3A_9] : memref<1920x16xf32, #tpu.memory_space<vmem>> -> memref<128x16xf32, #tpu.memory_space<vmem>>
    %dma_start3A_11 = arith.constant 0 : i32
    %dma_start3A_12 = tpu.memref_slice %arg8[%dma_start3A, %dma_start3A_11] : memref<15x128xi32, #tpu.memory_space<vmem>> -> memref<1x128xi32, #tpu.memory_space<vmem>>
    %dma_start3A_13 = tpu.memref_squeeze %dma_start3A_12 : memref<1x128xi32, #tpu.memory_space<vmem>> -> memref<128xi32, #tpu.memory_space<vmem>>
    %dma_start3A_14 = arith.constant 0 : i32
    %dma_start3A_15 = arith.constant 0 : i32
    %dma_start3A_16 = tpu.memref_slice %arg2[%dma_start3A_14, %dma_start3A_15] : memref<61445x16xf32, #tpu.memory_space<hbm>> -> memref<61445x16xf32, #tpu.memory_space<hbm>>
    tpu.enqueue_indirect_dma source(%dma_start3A_16 : memref<61445x16xf32, #tpu.memory_space<hbm>>) target(%dma_start3A_10 : memref<128x16xf32, #tpu.memory_space<vmem>>) offsets(%dma_start3A_13 : memref<128xi32, #tpu.memory_space<vmem>>) semaphore(%arg19 : memref<!tpu.dma_semaphore, #tpu.memory_space<semaphore_mem>>)
    %dma_start3A_17 = arith.constant 1 : i32
    %dma_start3A_18 = arith.constant 128 : i32
    %dma_start3A_19 = arith.constant 0 : i32
    %dma_start3A_20 = tpu.memref_slice %arg12[%dma_start3A_18, %dma_start3A_19] : memref<1920x16xf32, #tpu.memory_space<vmem>> -> memref<128x16xf32, #tpu.memory_space<vmem>>
    %dma_start3A_21 = arith.constant 0 : i32
    %dma_start3A_22 = tpu.memref_slice %arg8[%dma_start3A_17, %dma_start3A_21] : memref<15x128xi32, #tpu.memory_space<vmem>> -> memref<1x128xi32, #tpu.memory_space<vmem>>
    %dma_start3A_23 = tpu.memref_squeeze %dma_start3A_22 : memref<1x128xi32, #tpu.memory_space<vmem>> -> memref<128xi32, #tpu.memory_space<vmem>>
    %dma_start3A_24 = arith.constant 0 : i32
    %dma_start3A_25 = arith.constant 0 : i32
    %dma_start3A_26 = tpu.memref_slice %arg2[%dma_start3A_24, %dma_start3A_25] : memref<61445x16xf32, #tpu.memory_space<hbm>> -> memref<61445x16xf32, #tpu.memory_space<hbm>>
    tpu.enqueue_indirect_dma source(%dma_start3A_26 : memref<61445x16xf32, #tpu.memory_space<hbm>>) target(%dma_start3A_20 : memref<128x16xf32, #tpu.memory_space<vmem>>) offsets(%dma_start3A_23 : memref<128xi32, #tpu.memory_space<vmem>>) semaphore(%arg19 : memref<!tpu.dma_semaphore, #tpu.memory_space<semaphore_mem>>)
    %dma_start3A_27 = arith.constant 2 : i32
    %dma_start3A_28 = arith.constant 256 : i32
    %dma_start3A_29 = arith.constant 0 : i32
    %dma_start3A_30 = tpu.memref_slice %arg12[%dma_start3A_28, %dma_start3A_29] : memref<1920x16xf32, #tpu.memory_space<vmem>> -> memref<128x16xf32, #tpu.memory_space<vmem>>
    %dma_start3A_31 = arith.constant 0 : i32
    %dma_start3A_32 = tpu.memref_slice %arg8[%dma_start3A_27, %dma_start3A_31] : memref<15x128xi32, #tpu.memory_space<vmem>> -> memref<1x128xi32, #tpu.memory_space<vmem>>
    %dma_start3A_33 = tpu.memref_squeeze %dma_start3A_32 : memref<1x128xi32, #tpu.memory_space<vmem>> -> memref<128xi32, #tpu.memory_space<vmem>>
    %dma_start3A_34 = arith.constant 0 : i32
    %dma_start3A_35 = arith.constant 0 : i32
    %dma_start3A_36 = tpu.memref_slice %arg2[%dma_start3A_34, %dma_start3A_35] : memref<61445x16xf32, #tpu.memory_space<hbm>> -> memref<61445x16xf32, #tpu.memory_space<hbm>>
    tpu.enqueue_indirect_dma source(%dma_start3A_36 : memref<61445x16xf32, #tpu.memory_space<hbm>>) target(%dma_start3A_30 : memref<128x16xf32, #tpu.memory_space<vmem>>) offsets(%dma_start3A_33 : memref<128xi32, #tpu.memory_space<vmem>>) semaphore(%arg19 : memref<!tpu.dma_semaphore, #tpu.memory_space<semaphore_mem>>)
    %dma_start3A_37 = arith.constant 3 : i32
    %dma_start3A_38 = arith.constant 384 : i32
    %dma_start3A_39 = arith.constant 0 : i32
    %dma_start3A_40 = tpu.memref_slice %arg12[%dma_start3A_38, %dma_start3A_39] : memref<1920x16xf32, #tpu.memory_space<vmem>> -> memref<128x16xf32, #tpu.memory_space<vmem>>
    %dma_start3A_41 = arith.constant 0 : i32
    %dma_start3A_42 = tpu.memref_slice %arg8[%dma_start3A_37, %dma_start3A_41] : memref<15x128xi32, #tpu.memory_space<vmem>> -> memref<1x128xi32, #tpu.memory_space<vmem>>
    %dma_start3A_43 = tpu.memref_squeeze %dma_start3A_42 : memref<1x128xi32, #tpu.memory_space<vmem>> -> memref<128xi32, #tpu.memory_space<vmem>>
    %dma_start3A_44 = arith.constant 0 : i32
    %dma_start3A_45 = arith.constant 0 : i32
    %dma_start3A_46 = tpu.memref_slice %arg2[%dma_start3A_44, %dma_start3A_45] : memref<61445x16xf32, #tpu.memory_space<hbm>> -> memref<61445x16xf32, #tpu.memory_space<hbm>>
    tpu.enqueue_indirect_dma source(%dma_start3A_46 : memref<61445x16xf32, #tpu.memory_space<hbm>>) target(%dma_start3A_40 : memref<128x16xf32, #tpu.memory_space<vmem>>) offsets(%dma_start3A_43 : memref<128xi32, #tpu.memory_space<vmem>>) semaphore(%arg19 : memref<!tpu.dma_semaphore, #tpu.memory_space<semaphore_mem>>)
    %dma_start3A_47 = arith.constant 4 : i32
    %dma_start3A_48 = arith.constant 512 : i32
    %dma_start3A_49 = arith.constant 0 : i32
    %dma_start3A_50 = tpu.memref_slice %arg12[%dma_start3A_48, %dma_start3A_49] : memref<1920x16xf32, #tpu.memory_space<vmem>> -> memref<128x16xf32, #tpu.memory_space<vmem>>
    %dma_start3A_51 = arith.constant 0 : i32
    %dma_start3A_52 = tpu.memref_slice %arg8[%dma_start3A_47, %dma_start3A_51] : memref<15x128xi32, #tpu.memory_space<vmem>> -> memref<1x128xi32, #tpu.memory_space<vmem>>
    %dma_start3A_53 = tpu.memref_squeeze %dma_start3A_52 : memref<1x128xi32, #tpu.memory_space<vmem>> -> memref<128xi32, #tpu.memory_space<vmem>>
    %dma_start3A_54 = arith.constant 0 : i32
    %dma_start3A_55 = arith.constant 0 : i32
    %dma_start3A_56 = tpu.memref_slice %arg2[%dma_start3A_54, %dma_start3A_55] : memref<61445x16xf32, #tpu.memory_space<hbm>> -> memref<61445x16xf32, #tpu.memory_space<hbm>>
    tpu.enqueue_indirect_dma source(%dma_start3A_56 : memref<61445x16xf32, #tpu.memory_space<hbm>>) target(%dma_start3A_50 : memref<128x16xf32, #tpu.memory_space<vmem>>) offsets(%dma_start3A_53 : memref<128xi32, #tpu.memory_space<vmem>>) semaphore(%arg19 : memref<!tpu.dma_semaphore, #tpu.memory_space<semaphore_mem>>)
    %dma_start3A_57 = arith.constant 5 : i32
    %dma_start3A_58 = arith.constant 640 : i32
    %dma_start3A_59 = arith.constant 0 : i32
    %dma_start3A_60 = tpu.memref_slice %arg12[%dma_start3A_58, %dma_start3A_59] : memref<1920x16xf32, #tpu.memory_space<vmem>> -> memref<128x16xf32, #tpu.memory_space<vmem>>
    %dma_start3A_61 = arith.constant 0 : i32
    %dma_start3A_62 = tpu.memref_slice %arg8[%dma_start3A_57, %dma_start3A_61] : memref<15x128xi32, #tpu.memory_space<vmem>> -> memref<1x128xi32, #tpu.memory_space<vmem>>
    %dma_start3A_63 = tpu.memref_squeeze %dma_start3A_62 : memref<1x128xi32, #tpu.memory_space<vmem>> -> memref<128xi32, #tpu.memory_space<vmem>>
    %dma_start3A_64 = arith.constant 0 : i32
    %dma_start3A_65 = arith.constant 0 : i32
    %dma_start3A_66 = tpu.memref_slice %arg2[%dma_start3A_64, %dma_start3A_65] : memref<61445x16xf32, #tpu.memory_space<hbm>> -> memref<61445x16xf32, #tpu.memory_space<hbm>>
    tpu.enqueue_indirect_dma source(%dma_start3A_66 : memref<61445x16xf32, #tpu.memory_space<hbm>>) target(%dma_start3A_60 : memref<128x16xf32, #tpu.memory_space<vmem>>) offsets(%dma_start3A_63 : memref<128xi32, #tpu.memory_space<vmem>>) semaphore(%arg19 : memref<!tpu.dma_semaphore, #tpu.memory_space<semaphore_mem>>)
    %dma_start3A_67 = arith.constant 6 : i32
    %dma_start3A_68 = arith.constant 768 : i32
    %dma_start3A_69 = arith.constant 0 : i32
    %dma_start3A_70 = tpu.memref_slice %arg12[%dma_start3A_68, %dma_start3A_69] : memref<1920x16xf32, #tpu.memory_space<vmem>> -> memref<128x16xf32, #tpu.memory_space<vmem>>
    %dma_start3A_71 = arith.constant 0 : i32
    %dma_start3A_72 = tpu.memref_slice %arg8[%dma_start3A_67, %dma_start3A_71] : memref<15x128xi32, #tpu.memory_space<vmem>> -> memref<1x128xi32, #tpu.memory_space<vmem>>
    %dma_start3A_73 = tpu.memref_squeeze %dma_start3A_72 : memref<1x128xi32, #tpu.memory_space<vmem>> -> memref<128xi32, #tpu.memory_space<vmem>>
    %dma_start3A_74 = arith.constant 0 : i32
    %dma_start3A_75 = arith.constant 0 : i32
    %dma_start3A_76 = tpu.memref_slice %arg2[%dma_start3A_74, %dma_start3A_75] : memref<61445x16xf32, #tpu.memory_space<hbm>> -> memref<61445x16xf32, #tpu.memory_space<hbm>>
    tpu.enqueue_indirect_dma source(%dma_start3A_76 : memref<61445x16xf32, #tpu.memory_space<hbm>>) target(%dma_start3A_70 : memref<128x16xf32, #tpu.memory_space<vmem>>) offsets(%dma_start3A_73 : memref<128xi32, #tpu.memory_space<vmem>>) semaphore(%arg19 : memref<!tpu.dma_semaphore, #tpu.memory_space<semaphore_mem>>)
    %dma_start3A_77 = arith.constant 7 : i32
    %dma_start3A_78 = arith.constant 896 : i32
    %dma_start3A_79 = arith.constant 0 : i32
    %dma_start3A_80 = tpu.memref_slice %arg12[%dma_start3A_78, %dma_start3A_79] : memref<1920x16xf32, #tpu.memory_space<vmem>> -> memref<128x16xf32, #tpu.memory_space<vmem>>
    %dma_start3A_81 = arith.constant 0 : i32
    %dma_start3A_82 = tpu.memref_slice %arg8[%dma_start3A_77, %dma_start3A_81] : memref<15x128xi32, #tpu.memory_space<vmem>> -> memref<1x128xi32, #tpu.memory_space<vmem>>
    %dma_start3A_83 = tpu.memref_squeeze %dma_start3A_82 : memref<1x128xi32, #tpu.memory_space<vmem>> -> memref<128xi32, #tpu.memory_space<vmem>>
    %dma_start3A_84 = arith.constant 0 : i32
    %dma_start3A_85 = arith.constant 0 : i32
    %dma_start3A_86 = tpu.memref_slice %arg2[%dma_start3A_84, %dma_start3A_85] : memref<61445x16xf32, #tpu.memory_space<hbm>> -> memref<61445x16xf32, #tpu.memory_space<hbm>>
    tpu.enqueue_indirect_dma source(%dma_start3A_86 : memref<61445x16xf32, #tpu.memory_space<hbm>>) target(%dma_start3A_80 : memref<128x16xf32, #tpu.memory_space<vmem>>) offsets(%dma_start3A_83 : memref<128xi32, #tpu.memory_space<vmem>>) semaphore(%arg19 : memref<!tpu.dma_semaphore, #tpu.memory_space<semaphore_mem>>)
    %dma_start3A_87 = arith.constant 8 : i32
    %dma_start3A_88 = arith.constant 1024 : i32
    %dma_start3A_89 = arith.constant 0 : i32
    %dma_start3A_90 = tpu.memref_slice %arg12[%dma_start3A_88, %dma_start3A_89] : memref<1920x16xf32, #tpu.memory_space<vmem>> -> memref<128x16xf32, #tpu.memory_space<vmem>>
    %dma_start3A_91 = arith.constant 0 : i32
    %dma_start3A_92 = tpu.memref_slice %arg8[%dma_start3A_87, %dma_start3A_91] : memref<15x128xi32, #tpu.memory_space<vmem>> -> memref<1x128xi32, #tpu.memory_space<vmem>>
    %dma_start3A_93 = tpu.memref_squeeze %dma_start3A_92 : memref<1x128xi32, #tpu.memory_space<vmem>> -> memref<128xi32, #tpu.memory_space<vmem>>
    %dma_start3A_94 = arith.constant 0 : i32
    %dma_start3A_95 = arith.constant 0 : i32
    %dma_start3A_96 = tpu.memref_slice %arg2[%dma_start3A_94, %dma_start3A_95] : memref<61445x16xf32, #tpu.memory_space<hbm>> -> memref<61445x16xf32, #tpu.memory_space<hbm>>
    tpu.enqueue_indirect_dma source(%dma_start3A_96 : memref<61445x16xf32, #tpu.memory_space<hbm>>) target(%dma_start3A_90 : memref<128x16xf32, #tpu.memory_space<vmem>>) offsets(%dma_start3A_93 : memref<128xi32, #tpu.memory_space<vmem>>) semaphore(%arg19 : memref<!tpu.dma_semaphore, #tpu.memory_space<semaphore_mem>>)
    %dma_start3A_97 = arith.constant 9 : i32
    %dma_start3A_98 = arith.constant 1152 : i32
    %dma_start3A_99 = arith.constant 0 : i32
    %dma_start3A_100 = tpu.memref_slice %arg12[%dma_start3A_98, %dma_start3A_99] : memref<1920x16xf32, #tpu.memory_space<vmem>> -> memref<128x16xf32, #tpu.memory_space<vmem>>
    %dma_start3A_101 = arith.constant 0 : i32
    %dma_start3A_102 = tpu.memref_slice %arg8[%dma_start3A_97, %dma_start3A_101] : memref<15x128xi32, #tpu.memory_space<vmem>> -> memref<1x128xi32, #tpu.memory_space<vmem>>
    %dma_start3A_103 = tpu.memref_squeeze %dma_start3A_102 : memref<1x128xi32, #tpu.memory_space<vmem>> -> memref<128xi32, #tpu.memory_space<vmem>>
    %dma_start3A_104 = arith.constant 0 : i32
    %dma_start3A_105 = arith.constant 0 : i32
    %dma_start3A_106 = tpu.memref_slice %arg2[%dma_start3A_104, %dma_start3A_105] : memref<61445x16xf32, #tpu.memory_space<hbm>> -> memref<61445x16xf32, #tpu.memory_space<hbm>>
    tpu.enqueue_indirect_dma source(%dma_start3A_106 : memref<61445x16xf32, #tpu.memory_space<hbm>>) target(%dma_start3A_100 : memref<128x16xf32, #tpu.memory_space<vmem>>) offsets(%dma_start3A_103 : memref<128xi32, #tpu.memory_space<vmem>>) semaphore(%arg19 : memref<!tpu.dma_semaphore, #tpu.memory_space<semaphore_mem>>)
    %dma_start3A_107 = arith.constant 10 : i32
    %dma_start3A_108 = arith.constant 1280 : i32
    %dma_start3A_109 = arith.constant 0 : i32
    %dma_start3A_110 = tpu.memref_slice %arg12[%dma_start3A_108, %dma_start3A_109] : memref<1920x16xf32, #tpu.memory_space<vmem>> -> memref<128x16xf32, #tpu.memory_space<vmem>>
    %dma_start3A_111 = arith.constant 0 : i32
    %dma_start3A_112 = tpu.memref_slice %arg8[%dma_start3A_107, %dma_start3A_111] : memref<15x128xi32, #tpu.memory_space<vmem>> -> memref<1x128xi32, #tpu.memory_space<vmem>>
    %dma_start3A_113 = tpu.memref_squeeze %dma_start3A_112 : memref<1x128xi32, #tpu.memory_space<vmem>> -> memref<128xi32, #tpu.memory_space<vmem>>
    %dma_start3A_114 = arith.constant 0 : i32
    %dma_start3A_115 = arith.constant 0 : i32
    %dma_start3A_116 = tpu.memref_slice %arg2[%dma_start3A_114, %dma_start3A_115] : memref<61445x16xf32, #tpu.memory_space<hbm>> -> memref<61445x16xf32, #tpu.memory_space<hbm>>
    tpu.enqueue_indirect_dma source(%dma_start3A_116 : memref<61445x16xf32, #tpu.memory_space<hbm>>) target(%dma_start3A_110 : memref<128x16xf32, #tpu.memory_space<vmem>>) offsets(%dma_start3A_113 : memref<128xi32, #tpu.memory_space<vmem>>) semaphore(%arg19 : memref<!tpu.dma_semaphore, #tpu.memory_space<semaphore_mem>>)
    %dma_start3A_117 = arith.constant 11 : i32
    %dma_start3A_118 = arith.constant 1408 : i32
    %dma_start3A_119 = arith.constant 0 : i32
    %dma_start3A_120 = tpu.memref_slice %arg12[%dma_start3A_118, %dma_start3A_119] : memref<1920x16xf32, #tpu.memory_space<vmem>> -> memref<128x16xf32, #tpu.memory_space<vmem>>
    %dma_start3A_121 = arith.constant 0 : i32
    %dma_start3A_122 = tpu.memref_slice %arg8[%dma_start3A_117, %dma_start3A_121] : memref<15x128xi32, #tpu.memory_space<vmem>> -> memref<1x128xi32, #tpu.memory_space<vmem>>
    %dma_start3A_123 = tpu.memref_squeeze %dma_start3A_122 : memref<1x128xi32, #tpu.memory_space<vmem>> -> memref<128xi32, #tpu.memory_space<vmem>>
    %dma_start3A_124 = arith.constant 0 : i32
    %dma_start3A_125 = arith.constant 0 : i32
    %dma_start3A_126 = tpu.memref_slice %arg2[%dma_start3A_124, %dma_start3A_125] : memref<61445x16xf32, #tpu.memory_space<hbm>> -> memref<61445x16xf32, #tpu.memory_space<hbm>>
    tpu.enqueue_indirect_dma source(%dma_start3A_126 : memref<61445x16xf32, #tpu.memory_space<hbm>>) target(%dma_start3A_120 : memref<128x16xf32, #tpu.memory_space<vmem>>) offsets(%dma_start3A_123 : memref<128xi32, #tpu.memory_space<vmem>>) semaphore(%arg19 : memref<!tpu.dma_semaphore, #tpu.memory_space<semaphore_mem>>)
    %dma_start3A_127 = arith.constant 12 : i32
    %dma_start3A_128 = arith.constant 1536 : i32
    %dma_start3A_129 = arith.constant 0 : i32
    %dma_start3A_130 = tpu.memref_slice %arg12[%dma_start3A_128, %dma_start3A_129] : memref<1920x16xf32, #tpu.memory_space<vmem>> -> memref<128x16xf32, #tpu.memory_space<vmem>>
    %dma_start3A_131 = arith.constant 0 : i32
    %dma_start3A_132 = tpu.memref_slice %arg8[%dma_start3A_127, %dma_start3A_131] : memref<15x128xi32, #tpu.memory_space<vmem>> -> memref<1x128xi32, #tpu.memory_space<vmem>>
    %dma_start3A_133 = tpu.memref_squeeze %dma_start3A_132 : memref<1x128xi32, #tpu.memory_space<vmem>> -> memref<128xi32, #tpu.memory_space<vmem>>
    %dma_start3A_134 = arith.constant 0 : i32
    %dma_start3A_135 = arith.constant 0 : i32
    %dma_start3A_136 = tpu.memref_slice %arg2[%dma_start3A_134, %dma_start3A_135] : memref<61445x16xf32, #tpu.memory_space<hbm>> -> memref<61445x16xf32, #tpu.memory_space<hbm>>
    tpu.enqueue_indirect_dma source(%dma_start3A_136 : memref<61445x16xf32, #tpu.memory_space<hbm>>) target(%dma_start3A_130 : memref<128x16xf32, #tpu.memory_space<vmem>>) offsets(%dma_start3A_133 : memref<128xi32, #tpu.memory_space<vmem>>) semaphore(%arg19 : memref<!tpu.dma_semaphore, #tpu.memory_space<semaphore_mem>>)
    %dma_start3A_137 = arith.constant 13 : i32
    %dma_start3A_138 = arith.constant 1664 : i32
    %dma_start3A_139 = arith.constant 0 : i32
    %dma_start3A_140 = tpu.memref_slice %arg12[%dma_start3A_138, %dma_start3A_139] : memref<1920x16xf32, #tpu.memory_space<vmem>> -> memref<128x16xf32, #tpu.memory_space<vmem>>
    %dma_start3A_141 = arith.constant 0 : i32
    %dma_start3A_142 = tpu.memref_slice %arg8[%dma_start3A_137, %dma_start3A_141] : memref<15x128xi32, #tpu.memory_space<vmem>> -> memref<1x128xi32, #tpu.memory_space<vmem>>
    %dma_start3A_143 = tpu.memref_squeeze %dma_start3A_142 : memref<1x128xi32, #tpu.memory_space<vmem>> -> memref<128xi32, #tpu.memory_space<vmem>>
    %dma_start3A_144 = arith.constant 0 : i32
    %dma_start3A_145 = arith.constant 0 : i32
    %dma_start3A_146 = tpu.memref_slice %arg2[%dma_start3A_144, %dma_start3A_145] : memref<61445x16xf32, #tpu.memory_space<hbm>> -> memref<61445x16xf32, #tpu.memory_space<hbm>>
    tpu.enqueue_indirect_dma source(%dma_start3A_146 : memref<61445x16xf32, #tpu.memory_space<hbm>>) target(%dma_start3A_140 : memref<128x16xf32, #tpu.memory_space<vmem>>) offsets(%dma_start3A_143 : memref<128xi32, #tpu.memory_space<vmem>>) semaphore(%arg19 : memref<!tpu.dma_semaphore, #tpu.memory_space<semaphore_mem>>)
    %dma_start3A_147 = arith.constant 14 : i32
    %dma_start3A_148 = arith.constant 1792 : i32
    %dma_start3A_149 = arith.constant 0 : i32
    %dma_start3A_150 = tpu.memref_slice %arg12[%dma_start3A_148, %dma_start3A_149] : memref<1920x16xf32, #tpu.memory_space<vmem>> -> memref<128x16xf32, #tpu.memory_space<vmem>>
    %dma_start3A_151 = arith.constant 0 : i32
    %dma_start3A_152 = tpu.memref_slice %arg8[%dma_start3A_147, %dma_start3A_151] : memref<15x128xi32, #tpu.memory_space<vmem>> -> memref<1x128xi32, #tpu.memory_space<vmem>>
    %dma_start3A_153 = tpu.memref_squeeze %dma_start3A_152 : memref<1x128xi32, #tpu.memory_space<vmem>> -> memref<128xi32, #tpu.memory_space<vmem>>
    %dma_start3A_154 = arith.constant 0 : i32
    %dma_start3A_155 = arith.constant 0 : i32
    %dma_start3A_156 = tpu.memref_slice %arg2[%dma_start3A_154, %dma_start3A_155] : memref<61445x16xf32, #tpu.memory_space<hbm>> -> memref<61445x16xf32, #tpu.memory_space<hbm>>
    tpu.enqueue_indirect_dma source(%dma_start3A_156 : memref<61445x16xf32, #tpu.memory_space<hbm>>) target(%dma_start3A_150 : memref<128x16xf32, #tpu.memory_space<vmem>>) offsets(%dma_start3A_153 : memref<128xi32, #tpu.memory_space<vmem>>) semaphore(%arg19 : memref<!tpu.dma_semaphore, #tpu.memory_space<semaphore_mem>>)
    %dma_start3A_157 = arith.constant 0 : i32
    %dma_start3A_158 = arith.constant 0 : i32
    %dma_start3A_159 = tpu.memref_slice %arg3[%dma_start3A_157, %dma_start3A_158] : memref<512x16xf32, #tpu.memory_space<hbm>> -> memref<512x16xf32, #tpu.memory_space<hbm>>
    tpu.enqueue_indirect_dma source(%dma_start3A_159 : memref<512x16xf32, #tpu.memory_space<hbm>>) target(%arg14 : memref<128x16xf32, #tpu.memory_space<vmem>>) offsets(%arg10 : memref<128xi32, #tpu.memory_space<vmem>>) semaphore(%arg19 : memref<!tpu.dma_semaphore, #tpu.memory_space<semaphore_mem>>)
    %scan3A_160 = arith.constant 0 : i32
    %scan3A_161 = arith.constant 0 : i32
    %scan3A_162 = arith.constant 16 : i32
    %scan3A_163 = arith.addi %scan3A_161, %scan3A_162 : i32
    %scan3A_164 = arith.constant 1 : i32
    %scan3A_165 = scf.for %scan3A_182 = %scan3A_161 to %scan3A_163 step %scan3A_164 iter_args(%scan3A_183 = %scan3A_160) -> (i32)  : i32 {
      %mul3A_184 = arith.constant 2 : i32
      %mul3A_185 = arith.muli %mul3A_184, %scan3A_182 : i32
      %add3A_186 = arith.constant 1 : i32
      %add3A_187 = arith.addi %mul3A_185, %add3A_186 : i32
      "tpu.region"() ({
        %run_scoped3A_416 = tpu.sem_alloc : memref<!tpu.dma_semaphore, #tpu.memory_space<semaphore_mem>>
        %dma_start3A_417 = arith.constant 0 : i32
        %dma_start3A_418 = arith.constant 0 : i32
        %dma_start3A_419 = tpu.memref_slice %arg4[%add3A, %add3A_187, %dma_start3A_417, %dma_start3A_418] : memref<32x32x15x128xi32, #tpu.memory_space<hbm>> -> memref<1x1x15x128xi32, #tpu.memory_space<hbm>>
        %dma_start3A_420 = tpu.memref_squeeze %dma_start3A_419 : memref<1x1x15x128xi32, #tpu.memory_space<hbm>> -> memref<15x128xi32, #tpu.memory_space<hbm>>
        %dma_start3A_421 = arith.constant 0 : i32
        %dma_start3A_422 = arith.constant 0 : i32
        %dma_start3A_423 = tpu.memref_slice %arg4[%add3A, %add3A_187, %dma_start3A_421, %dma_start3A_422] : memref<32x32x15x128xi32, #tpu.memory_space<hbm>> -> memref<1x1x15x128xi32, #tpu.memory_space<hbm>>
        %dma_start3A_424 = tpu.memref_squeeze %dma_start3A_423 : memref<1x1x15x128xi32, #tpu.memory_space<hbm>> -> memref<15x128xi32, #tpu.memory_space<hbm>>
        tpu.enqueue_dma source(%dma_start3A_424 : memref<15x128xi32, #tpu.memory_space<hbm>>) target(%arg9 : memref<15x128xi32, #tpu.memory_space<vmem>>) target_semaphore(%run_scoped3A_416 : memref<!tpu.dma_semaphore, #tpu.memory_space<semaphore_mem>>)
        %dma_wait3A_425 = arith.constant 0 : i32
        %dma_wait3A_426 = arith.constant 0 : i32
        %dma_wait3A_427 = tpu.memref_slice %arg4[%add3A, %add3A_187, %dma_wait3A_425, %dma_wait3A_426] : memref<32x32x15x128xi32, #tpu.memory_space<hbm>> -> memref<1x1x15x128xi32, #tpu.memory_space<hbm>>
        %dma_wait3A_428 = tpu.memref_squeeze %dma_wait3A_427 : memref<1x1x15x128xi32, #tpu.memory_space<hbm>> -> memref<15x128xi32, #tpu.memory_space<hbm>>
        %dma_wait3A_429 = arith.constant 0 : i32
        %dma_wait3A_430 = arith.constant 0 : i32
        %dma_wait3A_431 = tpu.memref_slice %arg4[%add3A, %add3A_187, %dma_wait3A_429, %dma_wait3A_430] : memref<32x32x15x128xi32, #tpu.memory_space<hbm>> -> memref<1x1x15x128xi32, #tpu.memory_space<hbm>>
        %dma_wait3A_432 = tpu.memref_squeeze %dma_wait3A_431 : memref<1x1x15x128xi32, #tpu.memory_space<hbm>> -> memref<15x128xi32, #tpu.memory_space<hbm>>
        tpu.wait_dma2 semaphore(%run_scoped3A_416 : memref<!tpu.dma_semaphore, #tpu.memory_space<semaphore_mem>>) src(%dma_wait3A_432 : memref<15x128xi32, #tpu.memory_space<hbm>>) dst(%arg9 : memref<15x128xi32, #tpu.memory_space<vmem>>)
        tpu.yield
      }) : () -> ()
      "tpu.region"() ({
        %run_scoped3A_416 = tpu.sem_alloc : memref<!tpu.dma_semaphore, #tpu.memory_space<semaphore_mem>>
        %dma_start3A_417 = arith.constant 0 : i32
        %dma_start3A_418 = tpu.memref_slice %arg5[%add3A, %add3A_187, %dma_start3A_417] : memref<32x32x128xi32, #tpu.memory_space<hbm>> -> memref<1x1x128xi32, #tpu.memory_space<hbm>>
        %dma_start3A_419 = tpu.memref_squeeze %dma_start3A_418 : memref<1x1x128xi32, #tpu.memory_space<hbm>> -> memref<128xi32, #tpu.memory_space<hbm>>
        %dma_start3A_420 = arith.constant 0 : i32
        %dma_start3A_421 = tpu.memref_slice %arg5[%add3A, %add3A_187, %dma_start3A_420] : memref<32x32x128xi32, #tpu.memory_space<hbm>> -> memref<1x1x128xi32, #tpu.memory_space<hbm>>
        %dma_start3A_422 = tpu.memref_squeeze %dma_start3A_421 : memref<1x1x128xi32, #tpu.memory_space<hbm>> -> memref<128xi32, #tpu.memory_space<hbm>>
        tpu.enqueue_dma source(%dma_start3A_422 : memref<128xi32, #tpu.memory_space<hbm>>) target(%arg11 : memref<128xi32, #tpu.memory_space<vmem>>) target_semaphore(%run_scoped3A_416 : memref<!tpu.dma_semaphore, #tpu.memory_space<semaphore_mem>>)
        %dma_wait3A_423 = arith.constant 0 : i32
        %dma_wait3A_424 = tpu.memref_slice %arg5[%add3A, %add3A_187, %dma_wait3A_423] : memref<32x32x128xi32, #tpu.memory_space<hbm>> -> memref<1x1x128xi32, #tpu.memory_space<hbm>>
        %dma_wait3A_425 = tpu.memref_squeeze %dma_wait3A_424 : memref<1x1x128xi32, #tpu.memory_space<hbm>> -> memref<128xi32, #tpu.memory_space<hbm>>
        %dma_wait3A_426 = arith.constant 0 : i32
        %dma_wait3A_427 = tpu.memref_slice %arg5[%add3A, %add3A_187, %dma_wait3A_426] : memref<32x32x128xi32, #tpu.memory_space<hbm>> -> memref<1x1x128xi32, #tpu.memory_space<hbm>>
        %dma_wait3A_428 = tpu.memref_squeeze %dma_wait3A_427 : memref<1x1x128xi32, #tpu.memory_space<hbm>> -> memref<128xi32, #tpu.memory_space<hbm>>
        tpu.wait_dma2 semaphore(%run_scoped3A_416 : memref<!tpu.dma_semaphore, #tpu.memory_space<semaphore_mem>>) src(%dma_wait3A_428 : memref<128xi32, #tpu.memory_space<hbm>>) dst(%arg11 : memref<128xi32, #tpu.memory_space<vmem>>)
        tpu.yield
      }) : () -> ()
      %scan3A_188 = arith.constant 0 : i32
      %scan3A_189 = arith.constant 0 : i32
      %scan3A_190 = arith.constant 120 : i32
      %scan3A_191 = arith.addi %scan3A_189, %scan3A_190 : i32
      %scan3A_192 = arith.constant 1 : i32
      %scan3A_193 = scf.for %scan3A_416 = %scan3A_189 to %scan3A_191 step %scan3A_192 iter_args(%scan3A_417 = %scan3A_188) -> (i32)  : i32 {
        %jit3A = arith.constant 8 : i32
        %div3A = arith.divsi %scan3A_416, %jit3A : i32
        %sign3A = arith.constant 0 : i32
        %sign3A_418 = arith.cmpi sgt, %scan3A_416, %sign3A : i32
        %sign3A_419 = arith.extui %sign3A_418 : i1 to i32
        %sign3A_420 = arith.constant 0 : i32
        %sign3A_421 = arith.cmpi slt, %scan3A_416, %sign3A_420 : i32
        %sign3A_422 = arith.extui %sign3A_421 : i1 to i32
        %sign3A_423 = arith.subi %sign3A_419, %sign3A_422 : i32
        %sign3A_424 = arith.constant 0 : i32
        %sign3A_425 = arith.cmpi sgt, %jit3A, %sign3A_424 : i32
        %sign3A_426 = arith.extui %sign3A_425 : i1 to i32
        %sign3A_427 = arith.constant 0 : i32
        %sign3A_428 = arith.cmpi slt, %jit3A, %sign3A_427 : i32
        %sign3A_429 = arith.extui %sign3A_428 : i1 to i32
        %sign3A_430 = arith.subi %sign3A_426, %sign3A_429 : i32
        %ne3A = arith.cmpi ne, %sign3A_423, %sign3A_430 : i32
        %rem3A = arith.remsi %scan3A_416, %jit3A : i32
        %ne3A_431 = arith.constant 0 : i32
        %ne3A_432 = arith.cmpi ne, %rem3A, %ne3A_431 : i32
        %and3A = arith.andi %ne3A, %ne3A_432 : i1
        %sub3A = arith.constant 1 : i32
        %sub3A_433 = arith.subi %div3A, %sub3A : i32
        %select_n3A = arith.select %and3A, %sub3A_433, %div3A : i32
        %jit3A_434 = arith.constant 8 : i32
        %eq3A = arith.constant 0 : i32
        %eq3A_435 = arith.cmpi eq, %jit3A_434, %eq3A : i32
        %jit3A_436 = arith.constant 1 : i32
        %select_n3A_437 = arith.select %eq3A_435, %jit3A_436, %jit3A_434 : i32
        %rem3A_438 = arith.remsi %scan3A_416, %select_n3A_437 : i32
        %ne3A_439 = arith.constant 0 : i32
        %ne3A_440 = arith.cmpi ne, %rem3A_438, %ne3A_439 : i32
        %lt3A_441 = arith.constant 0 : i32
        %lt3A_442 = arith.cmpi slt, %rem3A_438, %lt3A_441 : i32
        %lt3A_443 = arith.constant 0 : i32
        %lt3A_444 = arith.cmpi slt, %select_n3A_437, %lt3A_443 : i32
        %ne3A_445 = arith.xori %lt3A_442, %lt3A_444 : i1
        %and3A_446 = arith.andi %ne3A_445, %ne3A_440 : i1
        %add3A_447 = arith.addi %rem3A_438, %select_n3A_437 : i32
        %select_n3A_448 = arith.select %and3A_446, %add3A_447, %rem3A_438 : i32
        %mul3A_449 = arith.constant 16 : i32
        %mul3A_450 = arith.muli %select_n3A_448, %mul3A_449 : i32
        %get3A = arith.index_cast %select_n3A : i32 to index
        %get3A_451 = arith.index_cast %mul3A_450 : i32 to index
        %get3A_452 = tpu.vector_load %arg9[%get3A, %get3A_451] {strides = array<i32>} : memref<15x128xi32, #tpu.memory_space<vmem>>, vector<1x16xi32>,
        %get3A_453 = vector.shape_cast %get3A_452 : vector<1x16xi32> to vector<16xi32>
        %get3A_454 = arith.index_cast %scan3A_417 : i32 to index
        %get3A_455 = tpu.vector_load %arg18[%get3A_454] {strides = array<i32>} : memref<256xi32, #tpu.memory_space<vmem>>, vector<16xi32>,
        %get3A_456 = vector.shape_cast %get3A_455 : vector<16xi32> to vector<16xi32>
        %mul3A_457 = arith.constant 5 : i32
        %mul3A_458 = vector.broadcast %mul3A_457 : i32 to vector<16xi32>
        %mul3A_459 = arith.muli %get3A_453, %mul3A_458 : vector<16xi32>
        %add3A_460 = arith.addi %mul3A_459, %get3A_456 : vector<16xi32>
        %swap3A = arith.index_cast %select_n3A : i32 to index
        %swap3A_461 = arith.index_cast %mul3A_450 : i32 to index
        %swap3A_462 = tpu.vector_load %arg9[%swap3A, %swap3A_461] {strides = array<i32>} : memref<15x128xi32, #tpu.memory_space<vmem>>, vector<1x16xi32>,
        %swap3A_463 = vector.shape_cast %swap3A_462 : vector<1x16xi32> to vector<16xi32>
        %swap3A_464 = vector.shape_cast %add3A_460 : vector<16xi32> to vector<1x16xi32>
        tpu.vector_store %arg9[%swap3A, %swap3A_461], %swap3A_464 {strides = array<i32>} : memref<15x128xi32, #tpu.memory_space<vmem>>, vector<1x16xi32>,
        %add3A_465 = arith.constant 16 : i32
        %add3A_466 = arith.addi %scan3A_417, %add3A_465 : i32
        %ge3A = arith.constant 240 : i32
        %ge3A_467 = arith.cmpi sge, %add3A_466, %ge3A : i32
        %sub3A_468 = arith.constant 240 : i32
        %sub3A_469 = arith.subi %add3A_466, %sub3A_468 : i32
        %select_n3A_470 = arith.select %ge3A_467, %sub3A_469, %add3A_466 : i32
        scf.yield %select_n3A_470 : i32
      }
      %scan3A_194 = arith.constant 120 : i32
      %dma_start3A_195 = arith.constant 0 : i32
      %dma_start3A_196 = arith.constant 0 : i32
      %dma_start3A_197 = arith.constant 0 : i32
      %dma_start3A_198 = tpu.memref_slice %arg13[%dma_start3A_196, %dma_start3A_197] : memref<1920x16xf32, #tpu.memory_space<vmem>> -> memref<128x16xf32, #tpu.memory_space<vmem>>
      %dma_start3A_199 = arith.constant 0 : i32
      %dma_start3A_200 = tpu.memref_slice %arg9[%dma_start3A_195, %dma_start3A_199] : memref<15x128xi32, #tpu.memory_space<vmem>> -> memref<1x128xi32, #tpu.memory_space<vmem>>
      %dma_start3A_201 = tpu.memref_squeeze %dma_start3A_200 : memref<1x128xi32, #tpu.memory_space<vmem>> -> memref<128xi32, #tpu.memory_space<vmem>>
      %dma_start3A_202 = arith.constant 0 : i32
      %dma_start3A_203 = arith.constant 0 : i32
      %dma_start3A_204 = tpu.memref_slice %arg2[%dma_start3A_202, %dma_start3A_203] : memref<61445x16xf32, #tpu.memory_space<hbm>> -> memref<61445x16xf32, #tpu.memory_space<hbm>>
      tpu.enqueue_indirect_dma source(%dma_start3A_204 : memref<61445x16xf32, #tpu.memory_space<hbm>>) target(%dma_start3A_198 : memref<128x16xf32, #tpu.memory_space<vmem>>) offsets(%dma_start3A_201 : memref<128xi32, #tpu.memory_space<vmem>>) semaphore(%arg20 : memref<!tpu.dma_semaphore, #tpu.memory_space<semaphore_mem>>)
      %dma_start3A_205 = arith.constant 1 : i32
      %dma_start3A_206 = arith.constant 128 : i32
      %dma_start3A_207 = arith.constant 0 : i32
      %dma_start3A_208 = tpu.memref_slice %arg13[%dma_start3A_206, %dma_start3A_207] : memref<1920x16xf32, #tpu.memory_space<vmem>> -> memref<128x16xf32, #tpu.memory_space<vmem>>
      %dma_start3A_209 = arith.constant 0 : i32
      %dma_start3A_210 = tpu.memref_slice %arg9[%dma_start3A_205, %dma_start3A_209] : memref<15x128xi32, #tpu.memory_space<vmem>> -> memref<1x128xi32, #tpu.memory_space<vmem>>
      %dma_start3A_211 = tpu.memref_squeeze %dma_start3A_210 : memref<1x128xi32, #tpu.memory_space<vmem>> -> memref<128xi32, #tpu.memory_space<vmem>>
      %dma_start3A_212 = arith.constant 0 : i32
      %dma_start3A_213 = arith.constant 0 : i32
      %dma_start3A_214 = tpu.memref_slice %arg2[%dma_start3A_212, %dma_start3A_213] : memref<61445x16xf32, #tpu.memory_space<hbm>> -> memref<61445x16xf32, #tpu.memory_space<hbm>>
      tpu.enqueue_indirect_dma source(%dma_start3A_214 : memref<61445x16xf32, #tpu.memory_space<hbm>>) target(%dma_start3A_208 : memref<128x16xf32, #tpu.memory_space<vmem>>) offsets(%dma_start3A_211 : memref<128xi32, #tpu.memory_space<vmem>>) semaphore(%arg20 : memref<!tpu.dma_semaphore, #tpu.memory_space<semaphore_mem>>)
      %dma_start3A_215 = arith.constant 2 : i32
      %dma_start3A_216 = arith.constant 256 : i32
      %dma_start3A_217 = arith.constant 0 : i32
      %dma_start3A_218 = tpu.memref_slice %arg13[%dma_start3A_216, %dma_start3A_217] : memref<1920x16xf32, #tpu.memory_space<vmem>> -> memref<128x16xf32, #tpu.memory_space<vmem>>
      %dma_start3A_219 = arith.constant 0 : i32
      %dma_start3A_220 = tpu.memref_slice %arg9[%dma_start3A_215, %dma_start3A_219] : memref<15x128xi32, #tpu.memory_space<vmem>> -> memref<1x128xi32, #tpu.memory_space<vmem>>
      %dma_start3A_221 = tpu.memref_squeeze %dma_start3A_220 : memref<1x128xi32, #tpu.memory_space<vmem>> -> memref<128xi32, #tpu.memory_space<vmem>>
      %dma_start3A_222 = arith.constant 0 : i32
      %dma_start3A_223 = arith.constant 0 : i32
      %dma_start3A_224 = tpu.memref_slice %arg2[%dma_start3A_222, %dma_start3A_223] : memref<61445x16xf32, #tpu.memory_space<hbm>> -> memref<61445x16xf32, #tpu.memory_space<hbm>>
      tpu.enqueue_indirect_dma source(%dma_start3A_224 : memref<61445x16xf32, #tpu.memory_space<hbm>>) target(%dma_start3A_218 : memref<128x16xf32, #tpu.memory_space<vmem>>) offsets(%dma_start3A_221 : memref<128xi32, #tpu.memory_space<vmem>>) semaphore(%arg20 : memref<!tpu.dma_semaphore, #tpu.memory_space<semaphore_mem>>)
      %dma_start3A_225 = arith.constant 3 : i32
      %dma_start3A_226 = arith.constant 384 : i32
      %dma_start3A_227 = arith.constant 0 : i32
      %dma_start3A_228 = tpu.memref_slice %arg13[%dma_start3A_226, %dma_start3A_227] : memref<1920x16xf32, #tpu.memory_space<vmem>> -> memref<128x16xf32, #tpu.memory_space<vmem>>
      %dma_start3A_229 = arith.constant 0 : i32
      %dma_start3A_230 = tpu.memref_slice %arg9[%dma_start3A_225, %dma_start3A_229] : memref<15x128xi32, #tpu.memory_space<vmem>> -> memref<1x128xi32, #tpu.memory_space<vmem>>
      %dma_start3A_231 = tpu.memref_squeeze %dma_start3A_230 : memref<1x128xi32, #tpu.memory_space<vmem>> -> memref<128xi32, #tpu.memory_space<vmem>>
      %dma_start3A_232 = arith.constant 0 : i32
      %dma_start3A_233 = arith.constant 0 : i32
      %dma_start3A_234 = tpu.memref_slice %arg2[%dma_start3A_232, %dma_start3A_233] : memref<61445x16xf32, #tpu.memory_space<hbm>> -> memref<61445x16xf32, #tpu.memory_space<hbm>>
      tpu.enqueue_indirect_dma source(%dma_start3A_234 : memref<61445x16xf32, #tpu.memory_space<hbm>>) target(%dma_start3A_228 : memref<128x16xf32, #tpu.memory_space<vmem>>) offsets(%dma_start3A_231 : memref<128xi32, #tpu.memory_space<vmem>>) semaphore(%arg20 : memref<!tpu.dma_semaphore, #tpu.memory_space<semaphore_mem>>)
      %dma_start3A_235 = arith.constant 4 : i32
      %dma_start3A_236 = arith.constant 512 : i32
      %dma_start3A_237 = arith.constant 0 : i32
      %dma_start3A_238 = tpu.memref_slice %arg13[%dma_start3A_236, %dma_start3A_237] : memref<1920x16xf32, #tpu.memory_space<vmem>> -> memref<128x16xf32, #tpu.memory_space<vmem>>
      %dma_start3A_239 = arith.constant 0 : i32
      %dma_start3A_240 = tpu.memref_slice %arg9[%dma_start3A_235, %dma_start3A_239] : memref<15x128xi32, #tpu.memory_space<vmem>> -> memref<1x128xi32, #tpu.memory_space<vmem>>
      %dma_start3A_241 = tpu.memref_squeeze %dma_start3A_240 : memref<1x128xi32, #tpu.memory_space<vmem>> -> memref<128xi32, #tpu.memory_space<vmem>>
      %dma_start3A_242 = arith.constant 0 : i32
      %dma_start3A_243 = arith.constant 0 : i32
      %dma_start3A_244 = tpu.memref_slice %arg2[%dma_start3A_242, %dma_start3A_243] : memref<61445x16xf32, #tpu.memory_space<hbm>> -> memref<61445x16xf32, #tpu.memory_space<hbm>>
      tpu.enqueue_indirect_dma source(%dma_start3A_244 : memref<61445x16xf32, #tpu.memory_space<hbm>>) target(%dma_start3A_238 : memref<128x16xf32, #tpu.memory_space<vmem>>) offsets(%dma_start3A_241 : memref<128xi32, #tpu.memory_space<vmem>>) semaphore(%arg20 : memref<!tpu.dma_semaphore, #tpu.memory_space<semaphore_mem>>)
      %dma_start3A_245 = arith.constant 5 : i32
      %dma_start3A_246 = arith.constant 640 : i32
      %dma_start3A_247 = arith.constant 0 : i32
      %dma_start3A_248 = tpu.memref_slice %arg13[%dma_start3A_246, %dma_start3A_247] : memref<1920x16xf32, #tpu.memory_space<vmem>> -> memref<128x16xf32, #tpu.memory_space<vmem>>
      %dma_start3A_249 = arith.constant 0 : i32
      %dma_start3A_250 = tpu.memref_slice %arg9[%dma_start3A_245, %dma_start3A_249] : memref<15x128xi32, #tpu.memory_space<vmem>> -> memref<1x128xi32, #tpu.memory_space<vmem>>
      %dma_start3A_251 = tpu.memref_squeeze %dma_start3A_250 : memref<1x128xi32, #tpu.memory_space<vmem>> -> memref<128xi32, #tpu.memory_space<vmem>>
      %dma_start3A_252 = arith.constant 0 : i32
      %dma_start3A_253 = arith.constant 0 : i32
      %dma_start3A_254 = tpu.memref_slice %arg2[%dma_start3A_252, %dma_start3A_253] : memref<61445x16xf32, #tpu.memory_space<hbm>> -> memref<61445x16xf32, #tpu.memory_space<hbm>>
      tpu.enqueue_indirect_dma source(%dma_start3A_254 : memref<61445x16xf32, #tpu.memory_space<hbm>>) target(%dma_start3A_248 : memref<128x16xf32, #tpu.memory_space<vmem>>) offsets(%dma_start3A_251 : memref<128xi32, #tpu.memory_space<vmem>>) semaphore(%arg20 : memref<!tpu.dma_semaphore, #tpu.memory_space<semaphore_mem>>)
      %dma_start3A_255 = arith.constant 6 : i32
      %dma_start3A_256 = arith.constant 768 : i32
      %dma_start3A_257 = arith.constant 0 : i32
      %dma_start3A_258 = tpu.memref_slice %arg13[%dma_start3A_256, %dma_start3A_257] : memref<1920x16xf32, #tpu.memory_space<vmem>> -> memref<128x16xf32, #tpu.memory_space<vmem>>
      %dma_start3A_259 = arith.constant 0 : i32
      %dma_start3A_260 = tpu.memref_slice %arg9[%dma_start3A_255, %dma_start3A_259] : memref<15x128xi32, #tpu.memory_space<vmem>> -> memref<1x128xi32, #tpu.memory_space<vmem>>
      %dma_start3A_261 = tpu.memref_squeeze %dma_start3A_260 : memref<1x128xi32, #tpu.memory_space<vmem>> -> memref<128xi32, #tpu.memory_space<vmem>>
      %dma_start3A_262 = arith.constant 0 : i32
      %dma_start3A_263 = arith.constant 0 : i32
      %dma_start3A_264 = tpu.memref_slice %arg2[%dma_start3A_262, %dma_start3A_263] : memref<61445x16xf32, #tpu.memory_space<hbm>> -> memref<61445x16xf32, #tpu.memory_space<hbm>>
      tpu.enqueue_indirect_dma source(%dma_start3A_264 : memref<61445x16xf32, #tpu.memory_space<hbm>>) target(%dma_start3A_258 : memref<128x16xf32, #tpu.memory_space<vmem>>) offsets(%dma_start3A_261 : memref<128xi32, #tpu.memory_space<vmem>>) semaphore(%arg20 : memref<!tpu.dma_semaphore, #tpu.memory_space<semaphore_mem>>)
      %dma_start3A_265 = arith.constant 7 : i32
      %dma_start3A_266 = arith.constant 896 : i32
      %dma_start3A_267 = arith.constant 0 : i32
      %dma_start3A_268 = tpu.memref_slice %arg13[%dma_start3A_266, %dma_start3A_267] : memref<1920x16xf32, #tpu.memory_space<vmem>> -> memref<128x16xf32, #tpu.memory_space<vmem>>
      %dma_start3A_269 = arith.constant 0 : i32
      %dma_start3A_270 = tpu.memref_slice %arg9[%dma_start3A_265, %dma_start3A_269] : memref<15x128xi32, #tpu.memory_space<vmem>> -> memref<1x128xi32, #tpu.memory_space<vmem>>
      %dma_start3A_271 = tpu.memref_squeeze %dma_start3A_270 : memref<1x128xi32, #tpu.memory_space<vmem>> -> memref<128xi32, #tpu.memory_space<vmem>>
      %dma_start3A_272 = arith.constant 0 : i32
      %dma_start3A_273 = arith.constant 0 : i32
      %dma_start3A_274 = tpu.memref_slice %arg2[%dma_start3A_272, %dma_start3A_273] : memref<61445x16xf32, #tpu.memory_space<hbm>> -> memref<61445x16xf32, #tpu.memory_space<hbm>>
      tpu.enqueue_indirect_dma source(%dma_start3A_274 : memref<61445x16xf32, #tpu.memory_space<hbm>>) target(%dma_start3A_268 : memref<128x16xf32, #tpu.memory_space<vmem>>) offsets(%dma_start3A_271 : memref<128xi32, #tpu.memory_space<vmem>>) semaphore(%arg20 : memref<!tpu.dma_semaphore, #tpu.memory_space<semaphore_mem>>)
      %dma_start3A_275 = arith.constant 8 : i32
      %dma_start3A_276 = arith.constant 1024 : i32
      %dma_start3A_277 = arith.constant 0 : i32
      %dma_start3A_278 = tpu.memref_slice %arg13[%dma_start3A_276, %dma_start3A_277] : memref<1920x16xf32, #tpu.memory_space<vmem>> -> memref<128x16xf32, #tpu.memory_space<vmem>>
      %dma_start3A_279 = arith.constant 0 : i32
      %dma_start3A_280 = tpu.memref_slice %arg9[%dma_start3A_275, %dma_start3A_279] : memref<15x128xi32, #tpu.memory_space<vmem>> -> memref<1x128xi32, #tpu.memory_space<vmem>>
      %dma_start3A_281 = tpu.memref_squeeze %dma_start3A_280 : memref<1x128xi32, #tpu.memory_space<vmem>> -> memref<128xi32, #tpu.memory_space<vmem>>
      %dma_start3A_282 = arith.constant 0 : i32
      %dma_start3A_283 = arith.constant 0 : i32
      %dma_start3A_284 = tpu.memref_slice %arg2[%dma_start3A_282, %dma_start3A_283] : memref<61445x16xf32, #tpu.memory_space<hbm>> -> memref<61445x16xf32, #tpu.memory_space<hbm>>
      tpu.enqueue_indirect_dma source(%dma_start3A_284 : memref<61445x16xf32, #tpu.memory_space<hbm>>) target(%dma_start3A_278 : memref<128x16xf32, #tpu.memory_space<vmem>>) offsets(%dma_start3A_281 : memref<128xi32, #tpu.memory_space<vmem>>) semaphore(%arg20 : memref<!tpu.dma_semaphore, #tpu.memory_space<semaphore_mem>>)
      %dma_start3A_285 = arith.constant 9 : i32
      %dma_start3A_286 = arith.constant 1152 : i32
      %dma_start3A_287 = arith.constant 0 : i32
      %dma_start3A_288 = tpu.memref_slice %arg13[%dma_start3A_286, %dma_start3A_287] : memref<1920x16xf32, #tpu.memory_space<vmem>> -> memref<128x16xf32, #tpu.memory_space<vmem>>
      %dma_start3A_289 = arith.constant 0 : i32
      %dma_start3A_290 = tpu.memref_slice %arg9[%dma_start3A_285, %dma_start3A_289] : memref<15x128xi32, #tpu.memory_space<vmem>> -> memref<1x128xi32, #tpu.memory_space<vmem>>
      %dma_start3A_291 = tpu.memref_squeeze %dma_start3A_290 : memref<1x128xi32, #tpu.memory_space<vmem>> -> memref<128xi32, #tpu.memory_space<vmem>>
      %dma_start3A_292 = arith.constant 0 : i32
      %dma_start3A_293 = arith.constant 0 : i32
      %dma_start3A_294 = tpu.memref_slice %arg2[%dma_start3A_292, %dma_start3A_293] : memref<61445x16xf32, #tpu.memory_space<hbm>> -> memref<61445x16xf32, #tpu.memory_space<hbm>>
      tpu.enqueue_indirect_dma source(%dma_start3A_294 : memref<61445x16xf32, #tpu.memory_space<hbm>>) target(%dma_start3A_288 : memref<128x16xf32, #tpu.memory_space<vmem>>) offsets(%dma_start3A_291 : memref<128xi32, #tpu.memory_space<vmem>>) semaphore(%arg20 : memref<!tpu.dma_semaphore, #tpu.memory_space<semaphore_mem>>)
      %dma_start3A_295 = arith.constant 10 : i32
      %dma_start3A_296 = arith.constant 1280 : i32
      %dma_start3A_297 = arith.constant 0 : i32
      %dma_start3A_298 = tpu.memref_slice %arg13[%dma_start3A_296, %dma_start3A_297] : memref<1920x16xf32, #tpu.memory_space<vmem>> -> memref<128x16xf32, #tpu.memory_space<vmem>>
      %dma_start3A_299 = arith.constant 0 : i32
      %dma_start3A_300 = tpu.memref_slice %arg9[%dma_start3A_295, %dma_start3A_299] : memref<15x128xi32, #tpu.memory_space<vmem>> -> memref<1x128xi32, #tpu.memory_space<vmem>>
      %dma_start3A_301 = tpu.memref_squeeze %dma_start3A_300 : memref<1x128xi32, #tpu.memory_space<vmem>> -> memref<128xi32, #tpu.memory_space<vmem>>
      %dma_start3A_302 = arith.constant 0 : i32
      %dma_start3A_303 = arith.constant 0 : i32
      %dma_start3A_304 = tpu.memref_slice %arg2[%dma_start3A_302, %dma_start3A_303] : memref<61445x16xf32, #tpu.memory_space<hbm>> -> memref<61445x16xf32, #tpu.memory_space<hbm>>
      tpu.enqueue_indirect_dma source(%dma_start3A_304 : memref<61445x16xf32, #tpu.memory_space<hbm>>) target(%dma_start3A_298 : memref<128x16xf32, #tpu.memory_space<vmem>>) offsets(%dma_start3A_301 : memref<128xi32, #tpu.memory_space<vmem>>) semaphore(%arg20 : memref<!tpu.dma_semaphore, #tpu.memory_space<semaphore_mem>>)
      %dma_start3A_305 = arith.constant 11 : i32
      %dma_start3A_306 = arith.constant 1408 : i32
      %dma_start3A_307 = arith.constant 0 : i32
      %dma_start3A_308 = tpu.memref_slice %arg13[%dma_start3A_306, %dma_start3A_307] : memref<1920x16xf32, #tpu.memory_space<vmem>> -> memref<128x16xf32, #tpu.memory_space<vmem>>
      %dma_start3A_309 = arith.constant 0 : i32
      %dma_start3A_310 = tpu.memref_slice %arg9[%dma_start3A_305, %dma_start3A_309] : memref<15x128xi32, #tpu.memory_space<vmem>> -> memref<1x128xi32, #tpu.memory_space<vmem>>
      %dma_start3A_311 = tpu.memref_squeeze %dma_start3A_310 : memref<1x128xi32, #tpu.memory_space<vmem>> -> memref<128xi32, #tpu.memory_space<vmem>>
      %dma_start3A_312 = arith.constant 0 : i32
      %dma_start3A_313 = arith.constant 0 : i32
      %dma_start3A_314 = tpu.memref_slice %arg2[%dma_start3A_312, %dma_start3A_313] : memref<61445x16xf32, #tpu.memory_space<hbm>> -> memref<61445x16xf32, #tpu.memory_space<hbm>>
      tpu.enqueue_indirect_dma source(%dma_start3A_314 : memref<61445x16xf32, #tpu.memory_space<hbm>>) target(%dma_start3A_308 : memref<128x16xf32, #tpu.memory_space<vmem>>) offsets(%dma_start3A_311 : memref<128xi32, #tpu.memory_space<vmem>>) semaphore(%arg20 : memref<!tpu.dma_semaphore, #tpu.memory_space<semaphore_mem>>)
      %dma_start3A_315 = arith.constant 12 : i32
      %dma_start3A_316 = arith.constant 1536 : i32
      %dma_start3A_317 = arith.constant 0 : i32
      %dma_start3A_318 = tpu.memref_slice %arg13[%dma_start3A_316, %dma_start3A_317] : memref<1920x16xf32, #tpu.memory_space<vmem>> -> memref<128x16xf32, #tpu.memory_space<vmem>>
      %dma_start3A_319 = arith.constant 0 : i32
      %dma_start3A_320 = tpu.memref_slice %arg9[%dma_start3A_315, %dma_start3A_319] : memref<15x128xi32, #tpu.memory_space<vmem>> -> memref<1x128xi32, #tpu.memory_space<vmem>>
      %dma_start3A_321 = tpu.memref_squeeze %dma_start3A_320 : memref<1x128xi32, #tpu.memory_space<vmem>> -> memref<128xi32, #tpu.memory_space<vmem>>
      %dma_start3A_322 = arith.constant 0 : i32
      %dma_start3A_323 = arith.constant 0 : i32
      %dma_start3A_324 = tpu.memref_slice %arg2[%dma_start3A_322, %dma_start3A_323] : memref<61445x16xf32, #tpu.memory_space<hbm>> -> memref<61445x16xf32, #tpu.memory_space<hbm>>
      tpu.enqueue_indirect_dma source(%dma_start3A_324 : memref<61445x16xf32, #tpu.memory_space<hbm>>) target(%dma_start3A_318 : memref<128x16xf32, #tpu.memory_space<vmem>>) offsets(%dma_start3A_321 : memref<128xi32, #tpu.memory_space<vmem>>) semaphore(%arg20 : memref<!tpu.dma_semaphore, #tpu.memory_space<semaphore_mem>>)
      %dma_start3A_325 = arith.constant 13 : i32
      %dma_start3A_326 = arith.constant 1664 : i32
      %dma_start3A_327 = arith.constant 0 : i32
      %dma_start3A_328 = tpu.memref_slice %arg13[%dma_start3A_326, %dma_start3A_327] : memref<1920x16xf32, #tpu.memory_space<vmem>> -> memref<128x16xf32, #tpu.memory_space<vmem>>
      %dma_start3A_329 = arith.constant 0 : i32
      %dma_start3A_330 = tpu.memref_slice %arg9[%dma_start3A_325, %dma_start3A_329] : memref<15x128xi32, #tpu.memory_space<vmem>> -> memref<1x128xi32, #tpu.memory_space<vmem>>
      %dma_start3A_331 = tpu.memref_squeeze %dma_start3A_330 : memref<1x128xi32, #tpu.memory_space<vmem>> -> memref<128xi32, #tpu.memory_space<vmem>>
      %dma_start3A_332 = arith.constant 0 : i32
      %dma_start3A_333 = arith.constant 0 : i32
      %dma_start3A_334 = tpu.memref_slice %arg2[%dma_start3A_332, %dma_start3A_333] : memref<61445x16xf32, #tpu.memory_space<hbm>> -> memref<61445x16xf32, #tpu.memory_space<hbm>>
      tpu.enqueue_indirect_dma source(%dma_start3A_334 : memref<61445x16xf32, #tpu.memory_space<hbm>>) target(%dma_start3A_328 : memref<128x16xf32, #tpu.memory_space<vmem>>) offsets(%dma_start3A_331 : memref<128xi32, #tpu.memory_space<vmem>>) semaphore(%arg20 : memref<!tpu.dma_semaphore, #tpu.memory_space<semaphore_mem>>)
      %dma_start3A_335 = arith.constant 14 : i32
      %dma_start3A_336 = arith.constant 1792 : i32
      %dma_start3A_337 = arith.constant 0 : i32
      %dma_start3A_338 = tpu.memref_slice %arg13[%dma_start3A_336, %dma_start3A_337] : memref<1920x16xf32, #tpu.memory_space<vmem>> -> memref<128x16xf32, #tpu.memory_space<vmem>>
      %dma_start3A_339 = arith.constant 0 : i32
      %dma_start3A_340 = tpu.memref_slice %arg9[%dma_start3A_335, %dma_start3A_339] : memref<15x128xi32, #tpu.memory_space<vmem>> -> memref<1x128xi32, #tpu.memory_space<vmem>>
      %dma_start3A_341 = tpu.memref_squeeze %dma_start3A_340 : memref<1x128xi32, #tpu.memory_space<vmem>> -> memref<128xi32, #tpu.memory_space<vmem>>
      %dma_start3A_342 = arith.constant 0 : i32
      %dma_start3A_343 = arith.constant 0 : i32
      %dma_start3A_344 = tpu.memref_slice %arg2[%dma_start3A_342, %dma_start3A_343] : memref<61445x16xf32, #tpu.memory_space<hbm>> -> memref<61445x16xf32, #tpu.memory_space<hbm>>
      tpu.enqueue_indirect_dma source(%dma_start3A_344 : memref<61445x16xf32, #tpu.memory_space<hbm>>) target(%dma_start3A_338 : memref<128x16xf32, #tpu.memory_space<vmem>>) offsets(%dma_start3A_341 : memref<128xi32, #tpu.memory_space<vmem>>) semaphore(%arg20 : memref<!tpu.dma_semaphore, #tpu.memory_space<semaphore_mem>>)
      %dma_start3A_345 = arith.constant 0 : i32
      %dma_start3A_346 = arith.constant 0 : i32
      %dma_start3A_347 = tpu.memref_slice %arg3[%dma_start3A_345, %dma_start3A_346] : memref<512x16xf32, #tpu.memory_space<hbm>> -> memref<512x16xf32, #tpu.memory_space<hbm>>
      tpu.enqueue_indirect_dma source(%dma_start3A_347 : memref<512x16xf32, #tpu.memory_space<hbm>>) target(%arg15 : memref<128x16xf32, #tpu.memory_space<vmem>>) offsets(%arg11 : memref<128xi32, #tpu.memory_space<vmem>>) semaphore(%arg20 : memref<!tpu.dma_semaphore, #tpu.memory_space<semaphore_mem>>)
      %dma_wait3A_348 = arith.constant 0 : i32
      %dma_wait3A_349 = arith.constant 0 : i32
      %dma_wait3A_350 = tpu.memref_slice %arg2[%dma_wait3A_348, %dma_wait3A_349] : memref<61445x16xf32, #tpu.memory_space<hbm>> -> memref<1920x16xf32, #tpu.memory_space<hbm>>
      %dma_wait3A_351 = arith.constant 0 : i32
      %dma_wait3A_352 = arith.constant 0 : i32
      %dma_wait3A_353 = tpu.memref_slice %arg2[%dma_wait3A_351, %dma_wait3A_352] : memref<61445x16xf32, #tpu.memory_space<hbm>> -> memref<1920x16xf32, #tpu.memory_space<hbm>>
      tpu.wait_dma2 semaphore(%arg19 : memref<!tpu.dma_semaphore, #tpu.memory_space<semaphore_mem>>) src(%dma_wait3A_353 : memref<1920x16xf32, #tpu.memory_space<hbm>>) dst(%arg12 : memref<1920x16xf32, #tpu.memory_space<vmem>>)
      %dma_wait3A_354 = arith.constant 0 : i32
      %dma_wait3A_355 = arith.constant 0 : i32
      %dma_wait3A_356 = tpu.memref_slice %arg3[%dma_wait3A_354, %dma_wait3A_355] : memref<512x16xf32, #tpu.memory_space<hbm>> -> memref<128x16xf32, #tpu.memory_space<hbm>>
      %dma_wait3A_357 = arith.constant 0 : i32
      %dma_wait3A_358 = arith.constant 0 : i32
      %dma_wait3A_359 = tpu.memref_slice %arg3[%dma_wait3A_357, %dma_wait3A_358] : memref<512x16xf32, #tpu.memory_space<hbm>> -> memref<128x16xf32, #tpu.memory_space<hbm>>
      tpu.wait_dma2 semaphore(%arg19 : memref<!tpu.dma_semaphore, #tpu.memory_space<semaphore_mem>>) src(%dma_wait3A_359 : memref<128x16xf32, #tpu.memory_space<hbm>>) dst(%arg14 : memref<128x16xf32, #tpu.memory_space<vmem>>)
      %gt3A = arith.constant 0 : i32
      %gt3A_360 = arith.cmpi sgt, %scan3A_182, %gt3A : i32
      %convert_element_type3A = arith.extui %gt3A_360 : i1 to i32
      %cond3A = arith.constant 0 : i32
      %cond3A_361 = arith.cmpi ne, %convert_element_type3A, %cond3A : i32
      scf.if %cond3A_361 {
        %dma_wait3A_416 = arith.constant 0 : i32
        %dma_wait3A_417 = arith.constant 0 : i32
        %dma_wait3A_418 = tpu.memref_slice %arg7[%add3A, %dma_wait3A_416, %dma_wait3A_417] : memref<32x4096x16xf32, #tpu.memory_space<hbm>> -> memref<1x128x16xf32, #tpu.memory_space<hbm>>
        %dma_wait3A_419 = tpu.memref_squeeze %dma_wait3A_418 : memref<1x128x16xf32, #tpu.memory_space<hbm>> -> memref<128x16xf32, #tpu.memory_space<hbm>>
        %dma_wait3A_420 = arith.constant 0 : i32
        %dma_wait3A_421 = arith.constant 0 : i32
        %dma_wait3A_422 = tpu.memref_slice %arg7[%add3A, %dma_wait3A_420, %dma_wait3A_421] : memref<32x4096x16xf32, #tpu.memory_space<hbm>> -> memref<1x128x16xf32, #tpu.memory_space<hbm>>
        %dma_wait3A_423 = tpu.memref_squeeze %dma_wait3A_422 : memref<1x128x16xf32, #tpu.memory_space<hbm>> -> memref<128x16xf32, #tpu.memory_space<hbm>>
        tpu.wait_dma2 semaphore(%arg21 : memref<!tpu.dma_semaphore, #tpu.memory_space<semaphore_mem>>) src(%arg16 : memref<128x16xf32, #tpu.memory_space<vmem>>) dst(%dma_wait3A_423 : memref<128x16xf32, #tpu.memory_space<hbm>>)
      } else {
      }
      %scan3A_362 = arith.constant 0 : i32
      %scan3A_363 = arith.constant 0 : i32
      %scan3A_364 = arith.constant 64 : i32
      %scan3A_365 = arith.addi %scan3A_363, %scan3A_364 : i32
      %scan3A_366 = arith.constant 1 : i32
      %scan3A_367 = scf.for %scan3A_416 = %scan3A_363 to %scan3A_365 step %scan3A_366 iter_args(%scan3A_417 = %scan3A_362) -> (i32)  : i32 {
        %mul3A_418 = arith.constant 2 : i32
        %mul3A_419 = arith.muli %scan3A_416, %mul3A_418 : i32
        %add3A_420 = arith.constant 0 : i32
        %add3A_421 = arith.addi %mul3A_419, %add3A_420 : i32
        %mul3A_422 = arith.constant 15 : i32
        %mul3A_423 = arith.muli %add3A_421, %mul3A_422 : i32
        %get3A = arith.index_cast %add3A_421 : i32 to index
        %get3A_424 = arith.constant 0 : index
        %get3A_425 = tpu.vector_load %arg14[%get3A, %get3A_424] {strides = array<i32>} : memref<128x16xf32, #tpu.memory_space<vmem>>, vector<1x16xf32>,
        %get3A_426 = vector.shape_cast %get3A_425 : vector<1x16xf32> to vector<16xf32>
        %add3A_427 = arith.constant 0 : i32
        %add3A_428 = arith.addi %mul3A_423, %add3A_427 : i32
        %get3A_429 = arith.index_cast %add3A_428 : i32 to index
        %get3A_430 = arith.constant 0 : index
        %get3A_431 = tpu.vector_load %arg12[%get3A_429, %get3A_430] {strides = array<i32>} : memref<1920x16xf32, #tpu.memory_space<vmem>>, vector<1x16xf32>,
        %get3A_432 = vector.shape_cast %get3A_431 : vector<1x16xf32> to vector<16xf32>
        %add3A_433 = arith.addf %get3A_426, %get3A_432 : vector<16xf32>
        %add3A_434 = arith.constant 1 : i32
        %add3A_435 = arith.addi %mul3A_423, %add3A_434 : i32
        %get3A_436 = arith.index_cast %add3A_435 : i32 to index
        %get3A_437 = arith.constant 0 : index
        %get3A_438 = tpu.vector_load %arg12[%get3A_436, %get3A_437] {strides = array<i32>} : memref<1920x16xf32, #tpu.memory_space<vmem>>, vector<1x16xf32>,
        %get3A_439 = vector.shape_cast %get3A_438 : vector<1x16xf32> to vector<16xf32>
        %add3A_440 = arith.addf %add3A_433, %get3A_439 : vector<16xf32>
        %add3A_441 = arith.constant 2 : i32
        %add3A_442 = arith.addi %mul3A_423, %add3A_441 : i32
        %get3A_443 = arith.index_cast %add3A_442 : i32 to index
        %get3A_444 = arith.constant 0 : index
        %get3A_445 = tpu.vector_load %arg12[%get3A_443, %get3A_444] {strides = array<i32>} : memref<1920x16xf32, #tpu.memory_space<vmem>>, vector<1x16xf32>,
        %get3A_446 = vector.shape_cast %get3A_445 : vector<1x16xf32> to vector<16xf32>
        %add3A_447 = arith.addf %add3A_440, %get3A_446 : vector<16xf32>
        %add3A_448 = arith.constant 3 : i32
        %add3A_449 = arith.addi %mul3A_423, %add3A_448 : i32
        %get3A_450 = arith.index_cast %add3A_449 : i32 to index
        %get3A_451 = arith.constant 0 : index
        %get3A_452 = tpu.vector_load %arg12[%get3A_450, %get3A_451] {strides = array<i32>} : memref<1920x16xf32, #tpu.memory_space<vmem>>, vector<1x16xf32>,
        %get3A_453 = vector.shape_cast %get3A_452 : vector<1x16xf32> to vector<16xf32>
        %add3A_454 = arith.addf %add3A_447, %get3A_453 : vector<16xf32>
        %add3A_455 = arith.constant 4 : i32
        %add3A_456 = arith.addi %mul3A_423, %add3A_455 : i32
        %get3A_457 = arith.index_cast %add3A_456 : i32 to index
        %get3A_458 = arith.constant 0 : index
        %get3A_459 = tpu.vector_load %arg12[%get3A_457, %get3A_458] {strides = array<i32>} : memref<1920x16xf32, #tpu.memory_space<vmem>>, vector<1x16xf32>,
        %get3A_460 = vector.shape_cast %get3A_459 : vector<1x16xf32> to vector<16xf32>
        %add3A_461 = arith.addf %add3A_454, %get3A_460 : vector<16xf32>
        %add3A_462 = arith.constant 5 : i32
        %add3A_463 = arith.addi %mul3A_423, %add3A_462 : i32
        %get3A_464 = arith.index_cast %add3A_463 : i32 to index
        %get3A_465 = arith.constant 0 : index
        %get3A_466 = tpu.vector_load %arg12[%get3A_464, %get3A_465] {strides = array<i32>} : memref<1920x16xf32, #tpu.memory_space<vmem>>, vector<1x16xf32>,
        %get3A_467 = vector.shape_cast %get3A_466 : vector<1x16xf32> to vector<16xf32>
        %add3A_468 = arith.addf %add3A_461, %get3A_467 : vector<16xf32>
        %add3A_469 = arith.constant 6 : i32
        %add3A_470 = arith.addi %mul3A_423, %add3A_469 : i32
        %get3A_471 = arith.index_cast %add3A_470 : i32 to index
        %get3A_472 = arith.constant 0 : index
        %get3A_473 = tpu.vector_load %arg12[%get3A_471, %get3A_472] {strides = array<i32>} : memref<1920x16xf32, #tpu.memory_space<vmem>>, vector<1x16xf32>,
        %get3A_474 = vector.shape_cast %get3A_473 : vector<1x16xf32> to vector<16xf32>
        %add3A_475 = arith.addf %add3A_468, %get3A_474 : vector<16xf32>
        %add3A_476 = arith.constant 7 : i32
        %add3A_477 = arith.addi %mul3A_423, %add3A_476 : i32
        %get3A_478 = arith.index_cast %add3A_477 : i32 to index
        %get3A_479 = arith.constant 0 : index
        %get3A_480 = tpu.vector_load %arg12[%get3A_478, %get3A_479] {strides = array<i32>} : memref<1920x16xf32, #tpu.memory_space<vmem>>, vector<1x16xf32>,
        %get3A_481 = vector.shape_cast %get3A_480 : vector<1x16xf32> to vector<16xf32>
        %add3A_482 = arith.addf %add3A_475, %get3A_481 : vector<16xf32>
        %add3A_483 = arith.constant 8 : i32
        %add3A_484 = arith.addi %mul3A_423, %add3A_483 : i32
        %get3A_485 = arith.index_cast %add3A_484 : i32 to index
        %get3A_486 = arith.constant 0 : index
        %get3A_487 = tpu.vector_load %arg12[%get3A_485, %get3A_486] {strides = array<i32>} : memref<1920x16xf32, #tpu.memory_space<vmem>>, vector<1x16xf32>,
        %get3A_488 = vector.shape_cast %get3A_487 : vector<1x16xf32> to vector<16xf32>
        %add3A_489 = arith.addf %add3A_482, %get3A_488 : vector<16xf32>
        %add3A_490 = arith.constant 9 : i32
        %add3A_491 = arith.addi %mul3A_423, %add3A_490 : i32
        %get3A_492 = arith.index_cast %add3A_491 : i32 to index
        %get3A_493 = arith.constant 0 : index
        %get3A_494 = tpu.vector_load %arg12[%get3A_492, %get3A_493] {strides = array<i32>} : memref<1920x16xf32, #tpu.memory_space<vmem>>, vector<1x16xf32>,
        %get3A_495 = vector.shape_cast %get3A_494 : vector<1x16xf32> to vector<16xf32>
        %add3A_496 = arith.addf %add3A_489, %get3A_495 : vector<16xf32>
        %add3A_497 = arith.constant 10 : i32
        %add3A_498 = arith.addi %mul3A_423, %add3A_497 : i32
        %get3A_499 = arith.index_cast %add3A_498 : i32 to index
        %get3A_500 = arith.constant 0 : index
        %get3A_501 = tpu.vector_load %arg12[%get3A_499, %get3A_500] {strides = array<i32>} : memref<1920x16xf32, #tpu.memory_space<vmem>>, vector<1x16xf32>,
        %get3A_502 = vector.shape_cast %get3A_501 : vector<1x16xf32> to vector<16xf32>
        %add3A_503 = arith.addf %add3A_496, %get3A_502 : vector<16xf32>
        %add3A_504 = arith.constant 11 : i32
        %add3A_505 = arith.addi %mul3A_423, %add3A_504 : i32
        %get3A_506 = arith.index_cast %add3A_505 : i32 to index
        %get3A_507 = arith.constant 0 : index
        %get3A_508 = tpu.vector_load %arg12[%get3A_506, %get3A_507] {strides = array<i32>} : memref<1920x16xf32, #tpu.memory_space<vmem>>, vector<1x16xf32>,
        %get3A_509 = vector.shape_cast %get3A_508 : vector<1x16xf32> to vector<16xf32>
        %add3A_510 = arith.addf %add3A_503, %get3A_509 : vector<16xf32>
        %add3A_511 = arith.constant 12 : i32
        %add3A_512 = arith.addi %mul3A_423, %add3A_511 : i32
        %get3A_513 = arith.index_cast %add3A_512 : i32 to index
        %get3A_514 = arith.constant 0 : index
        %get3A_515 = tpu.vector_load %arg12[%get3A_513, %get3A_514] {strides = array<i32>} : memref<1920x16xf32, #tpu.memory_space<vmem>>, vector<1x16xf32>,
        %get3A_516 = vector.shape_cast %get3A_515 : vector<1x16xf32> to vector<16xf32>
        %add3A_517 = arith.addf %add3A_510, %get3A_516 : vector<16xf32>
        %add3A_518 = arith.constant 13 : i32
        %add3A_519 = arith.addi %mul3A_423, %add3A_518 : i32
        %get3A_520 = arith.index_cast %add3A_519 : i32 to index
        %get3A_521 = arith.constant 0 : index
        %get3A_522 = tpu.vector_load %arg12[%get3A_520, %get3A_521] {strides = array<i32>} : memref<1920x16xf32, #tpu.memory_space<vmem>>, vector<1x16xf32>,
        %get3A_523 = vector.shape_cast %get3A_522 : vector<1x16xf32> to vector<16xf32>
        %add3A_524 = arith.addf %add3A_517, %get3A_523 : vector<16xf32>
        %add3A_525 = arith.constant 14 : i32
        %add3A_526 = arith.addi %mul3A_423, %add3A_525 : i32
        %get3A_527 = arith.index_cast %add3A_526 : i32 to index
        %get3A_528 = arith.constant 0 : index
        %get3A_529 = tpu.vector_load %arg12[%get3A_527, %get3A_528] {strides = array<i32>} : memref<1920x16xf32, #tpu.memory_space<vmem>>, vector<1x16xf32>,
        %get3A_530 = vector.shape_cast %get3A_529 : vector<1x16xf32> to vector<16xf32>
        %add3A_531 = arith.addf %add3A_524, %get3A_530 : vector<16xf32>
        %swap3A = arith.index_cast %add3A_421 : i32 to index
        %swap3A_532 = arith.constant 0 : index
        %swap3A_533 = tpu.vector_load %arg16[%swap3A, %swap3A_532] {strides = array<i32>} : memref<128x16xf32, #tpu.memory_space<vmem>>, vector<1x16xf32>,
        %swap3A_534 = vector.shape_cast %swap3A_533 : vector<1x16xf32> to vector<16xf32>
        %swap3A_535 = vector.shape_cast %add3A_531 : vector<16xf32> to vector<1x16xf32>
        tpu.vector_store %arg16[%swap3A, %swap3A_532], %swap3A_535 {strides = array<i32>} : memref<128x16xf32, #tpu.memory_space<vmem>>, vector<1x16xf32>,
        %mul3A_536 = arith.constant 2 : i32
        %mul3A_537 = arith.muli %scan3A_416, %mul3A_536 : i32
        %add3A_538 = arith.constant 1 : i32
        %add3A_539 = arith.addi %mul3A_537, %add3A_538 : i32
        %mul3A_540 = arith.constant 15 : i32
        %mul3A_541 = arith.muli %add3A_539, %mul3A_540 : i32
        %get3A_542 = arith.index_cast %add3A_539 : i32 to index
        %get3A_543 = arith.constant 0 : index
        %get3A_544 = tpu.vector_load %arg14[%get3A_542, %get3A_543] {strides = array<i32>} : memref<128x16xf32, #tpu.memory_space<vmem>>, vector<1x16xf32>,
        %get3A_545 = vector.shape_cast %get3A_544 : vector<1x16xf32> to vector<16xf32>
        %add3A_546 = arith.constant 0 : i32
        %add3A_547 = arith.addi %mul3A_541, %add3A_546 : i32
        %get3A_548 = arith.index_cast %add3A_547 : i32 to index
        %get3A_549 = arith.constant 0 : index
        %get3A_550 = tpu.vector_load %arg12[%get3A_548, %get3A_549] {strides = array<i32>} : memref<1920x16xf32, #tpu.memory_space<vmem>>, vector<1x16xf32>,
        %get3A_551 = vector.shape_cast %get3A_550 : vector<1x16xf32> to vector<16xf32>
        %add3A_552 = arith.addf %get3A_545, %get3A_551 : vector<16xf32>
        %add3A_553 = arith.constant 1 : i32
        %add3A_554 = arith.addi %mul3A_541, %add3A_553 : i32
        %get3A_555 = arith.index_cast %add3A_554 : i32 to index
        %get3A_556 = arith.constant 0 : index
        %get3A_557 = tpu.vector_load %arg12[%get3A_555, %get3A_556] {strides = array<i32>} : memref<1920x16xf32, #tpu.memory_space<vmem>>, vector<1x16xf32>,
        %get3A_558 = vector.shape_cast %get3A_557 : vector<1x16xf32> to vector<16xf32>
        %add3A_559 = arith.addf %add3A_552, %get3A_558 : vector<16xf32>
        %add3A_560 = arith.constant 2 : i32
        %add3A_561 = arith.addi %mul3A_541, %add3A_560 : i32
        %get3A_562 = arith.index_cast %add3A_561 : i32 to index
        %get3A_563 = arith.constant 0 : index
        %get3A_564 = tpu.vector_load %arg12[%get3A_562, %get3A_563] {strides = array<i32>} : memref<1920x16xf32, #tpu.memory_space<vmem>>, vector<1x16xf32>,
        %get3A_565 = vector.shape_cast %get3A_564 : vector<1x16xf32> to vector<16xf32>
        %add3A_566 = arith.addf %add3A_559, %get3A_565 : vector<16xf32>
        %add3A_567 = arith.constant 3 : i32
        %add3A_568 = arith.addi %mul3A_541, %add3A_567 : i32
        %get3A_569 = arith.index_cast %add3A_568 : i32 to index
        %get3A_570 = arith.constant 0 : index
        %get3A_571 = tpu.vector_load %arg12[%get3A_569, %get3A_570] {strides = array<i32>} : memref<1920x16xf32, #tpu.memory_space<vmem>>, vector<1x16xf32>,
        %get3A_572 = vector.shape_cast %get3A_571 : vector<1x16xf32> to vector<16xf32>
        %add3A_573 = arith.addf %add3A_566, %get3A_572 : vector<16xf32>
        %add3A_574 = arith.constant 4 : i32
        %add3A_575 = arith.addi %mul3A_541, %add3A_574 : i32
        %get3A_576 = arith.index_cast %add3A_575 : i32 to index
        %get3A_577 = arith.constant 0 : index
        %get3A_578 = tpu.vector_load %arg12[%get3A_576, %get3A_577] {strides = array<i32>} : memref<1920x16xf32, #tpu.memory_space<vmem>>, vector<1x16xf32>,
        %get3A_579 = vector.shape_cast %get3A_578 : vector<1x16xf32> to vector<16xf32>
        %add3A_580 = arith.addf %add3A_573, %get3A_579 : vector<16xf32>
        %add3A_581 = arith.constant 5 : i32
        %add3A_582 = arith.addi %mul3A_541, %add3A_581 : i32
        %get3A_583 = arith.index_cast %add3A_582 : i32 to index
        %get3A_584 = arith.constant 0 : index
        %get3A_585 = tpu.vector_load %arg12[%get3A_583, %get3A_584] {strides = array<i32>} : memref<1920x16xf32, #tpu.memory_space<vmem>>, vector<1x16xf32>,
        %get3A_586 = vector.shape_cast %get3A_585 : vector<1x16xf32> to vector<16xf32>
        %add3A_587 = arith.addf %add3A_580, %get3A_586 : vector<16xf32>
        %add3A_588 = arith.constant 6 : i32
        %add3A_589 = arith.addi %mul3A_541, %add3A_588 : i32
        %get3A_590 = arith.index_cast %add3A_589 : i32 to index
        %get3A_591 = arith.constant 0 : index
        %get3A_592 = tpu.vector_load %arg12[%get3A_590, %get3A_591] {strides = array<i32>} : memref<1920x16xf32, #tpu.memory_space<vmem>>, vector<1x16xf32>,
        %get3A_593 = vector.shape_cast %get3A_592 : vector<1x16xf32> to vector<16xf32>
        %add3A_594 = arith.addf %add3A_587, %get3A_593 : vector<16xf32>
        %add3A_595 = arith.constant 7 : i32
        %add3A_596 = arith.addi %mul3A_541, %add3A_595 : i32
        %get3A_597 = arith.index_cast %add3A_596 : i32 to index
        %get3A_598 = arith.constant 0 : index
        %get3A_599 = tpu.vector_load %arg12[%get3A_597, %get3A_598] {strides = array<i32>} : memref<1920x16xf32, #tpu.memory_space<vmem>>, vector<1x16xf32>,
        %get3A_600 = vector.shape_cast %get3A_599 : vector<1x16xf32> to vector<16xf32>
        %add3A_601 = arith.addf %add3A_594, %get3A_600 : vector<16xf32>
        %add3A_602 = arith.constant 8 : i32
        %add3A_603 = arith.addi %mul3A_541, %add3A_602 : i32
        %get3A_604 = arith.index_cast %add3A_603 : i32 to index
        %get3A_605 = arith.constant 0 : index
        %get3A_606 = tpu.vector_load %arg12[%get3A_604, %get3A_605] {strides = array<i32>} : memref<1920x16xf32, #tpu.memory_space<vmem>>, vector<1x16xf32>,
        %get3A_607 = vector.shape_cast %get3A_606 : vector<1x16xf32> to vector<16xf32>
        %add3A_608 = arith.addf %add3A_601, %get3A_607 : vector<16xf32>
        %add3A_609 = arith.constant 9 : i32
        %add3A_610 = arith.addi %mul3A_541, %add3A_609 : i32
        %get3A_611 = arith.index_cast %add3A_610 : i32 to index
        %get3A_612 = arith.constant 0 : index
        %get3A_613 = tpu.vector_load %arg12[%get3A_611, %get3A_612] {strides = array<i32>} : memref<1920x16xf32, #tpu.memory_space<vmem>>, vector<1x16xf32>,
        %get3A_614 = vector.shape_cast %get3A_613 : vector<1x16xf32> to vector<16xf32>
        %add3A_615 = arith.addf %add3A_608, %get3A_614 : vector<16xf32>
        %add3A_616 = arith.constant 10 : i32
        %add3A_617 = arith.addi %mul3A_541, %add3A_616 : i32
        %get3A_618 = arith.index_cast %add3A_617 : i32 to index
        %get3A_619 = arith.constant 0 : index
        %get3A_620 = tpu.vector_load %arg12[%get3A_618, %get3A_619] {strides = array<i32>} : memref<1920x16xf32, #tpu.memory_space<vmem>>, vector<1x16xf32>,
        %get3A_621 = vector.shape_cast %get3A_620 : vector<1x16xf32> to vector<16xf32>
        %add3A_622 = arith.addf %add3A_615, %get3A_621 : vector<16xf32>
        %add3A_623 = arith.constant 11 : i32
        %add3A_624 = arith.addi %mul3A_541, %add3A_623 : i32
        %get3A_625 = arith.index_cast %add3A_624 : i32 to index
        %get3A_626 = arith.constant 0 : index
        %get3A_627 = tpu.vector_load %arg12[%get3A_625, %get3A_626] {strides = array<i32>} : memref<1920x16xf32, #tpu.memory_space<vmem>>, vector<1x16xf32>,
        %get3A_628 = vector.shape_cast %get3A_627 : vector<1x16xf32> to vector<16xf32>
        %add3A_629 = arith.addf %add3A_622, %get3A_628 : vector<16xf32>
        %add3A_630 = arith.constant 12 : i32
        %add3A_631 = arith.addi %mul3A_541, %add3A_630 : i32
        %get3A_632 = arith.index_cast %add3A_631 : i32 to index
        %get3A_633 = arith.constant 0 : index
        %get3A_634 = tpu.vector_load %arg12[%get3A_632, %get3A_633] {strides = array<i32>} : memref<1920x16xf32, #tpu.memory_space<vmem>>, vector<1x16xf32>,
        %get3A_635 = vector.shape_cast %get3A_634 : vector<1x16xf32> to vector<16xf32>
        %add3A_636 = arith.addf %add3A_629, %get3A_635 : vector<16xf32>
        %add3A_637 = arith.constant 13 : i32
        %add3A_638 = arith.addi %mul3A_541, %add3A_637 : i32
        %get3A_639 = arith.index_cast %add3A_638 : i32 to index
        %get3A_640 = arith.constant 0 : index
        %get3A_641 = tpu.vector_load %arg12[%get3A_639, %get3A_640] {strides = array<i32>} : memref<1920x16xf32, #tpu.memory_space<vmem>>, vector<1x16xf32>,
        %get3A_642 = vector.shape_cast %get3A_641 : vector<1x16xf32> to vector<16xf32>
        %add3A_643 = arith.addf %add3A_636, %get3A_642 : vector<16xf32>
        %add3A_644 = arith.constant 14 : i32
        %add3A_645 = arith.addi %mul3A_541, %add3A_644 : i32
        %get3A_646 = arith.index_cast %add3A_645 : i32 to index
        %get3A_647 = arith.constant 0 : index
        %get3A_648 = tpu.vector_load %arg12[%get3A_646, %get3A_647] {strides = array<i32>} : memref<1920x16xf32, #tpu.memory_space<vmem>>, vector<1x16xf32>,
        %get3A_649 = vector.shape_cast %get3A_648 : vector<1x16xf32> to vector<16xf32>
        %add3A_650 = arith.addf %add3A_643, %get3A_649 : vector<16xf32>
        %swap3A_651 = arith.index_cast %add3A_539 : i32 to index
        %swap3A_652 = arith.constant 0 : index
        %swap3A_653 = tpu.vector_load %arg16[%swap3A_651, %swap3A_652] {strides = array<i32>} : memref<128x16xf32, #tpu.memory_space<vmem>>, vector<1x16xf32>,
        %swap3A_654 = vector.shape_cast %swap3A_653 : vector<1x16xf32> to vector<16xf32>
        %swap3A_655 = vector.shape_cast %add3A_650 : vector<16xf32> to vector<1x16xf32>
        tpu.vector_store %arg16[%swap3A_651, %swap3A_652], %swap3A_655 {strides = array<i32>} : memref<128x16xf32, #tpu.memory_space<vmem>>, vector<1x16xf32>,
        %scan3A_656 = arith.constant 0 : i32
        scf.yield %scan3A_656 : i32
      }
      %scan3A_368 = arith.constant 64 : i32
      %mul3A_369 = arith.constant 128 : i32
      %mul3A_370 = arith.muli %mul3A_185, %mul3A_369 : i32
      %dma_start3A_371 = arith.constant 0 : i32
      %dma_start3A_372 = tpu.memref_slice %arg7[%add3A, %mul3A_370, %dma_start3A_371] : memref<32x4096x16xf32, #tpu.memory_space<hbm>> -> memref<1x128x16xf32, #tpu.memory_space<hbm>>
      %dma_start3A_373 = tpu.memref_squeeze %dma_start3A_372 : memref<1x128x16xf32, #tpu.memory_space<hbm>> -> memref<128x16xf32, #tpu.memory_space<hbm>>
      %dma_start3A_374 = arith.constant 0 : i32
      %dma_start3A_375 = tpu.memref_slice %arg7[%add3A, %mul3A_370, %dma_start3A_374] : memref<32x4096x16xf32, #tpu.memory_space<hbm>> -> memref<1x128x16xf32, #tpu.memory_space<hbm>>
      %dma_start3A_376 = tpu.memref_squeeze %dma_start3A_375 : memref<1x128x16xf32, #tpu.memory_space<hbm>> -> memref<128x16xf32, #tpu.memory_space<hbm>>
      tpu.enqueue_dma source(%arg16 : memref<128x16xf32, #tpu.memory_space<vmem>>) target(%dma_start3A_376 : memref<128x16xf32, #tpu.memory_space<hbm>>) target_semaphore(%arg21 : memref<!tpu.dma_semaphore, #tpu.memory_space<semaphore_mem>>)
      %lt3A = arith.constant 15 : i32
      %lt3A_377 = arith.cmpi slt, %scan3A_182, %lt3A : i32
      %convert_element_type3A_378 = arith.extui %lt3A_377 : i1 to i32
      %cond3A_379 = arith.constant 0 : i32
      %cond3A_380 = arith.cmpi ne, %convert_element_type3A_378, %cond3A_379 : i32
      scf.if %cond3A_380 {
        %add3A_416 = arith.constant 2 : i32
        %add3A_417 = arith.addi %mul3A_185, %add3A_416 : i32
        "tpu.region"() ({
          %run_scoped3A_578 = tpu.sem_alloc : memref<!tpu.dma_semaphore, #tpu.memory_space<semaphore_mem>>
          %dma_start3A_579 = arith.constant 0 : i32
          %dma_start3A_580 = arith.constant 0 : i32
          %dma_start3A_581 = tpu.memref_slice %arg4[%add3A, %add3A_417, %dma_start3A_579, %dma_start3A_580] : memref<32x32x15x128xi32, #tpu.memory_space<hbm>> -> memref<1x1x15x128xi32, #tpu.memory_space<hbm>>
          %dma_start3A_582 = tpu.memref_squeeze %dma_start3A_581 : memref<1x1x15x128xi32, #tpu.memory_space<hbm>> -> memref<15x128xi32, #tpu.memory_space<hbm>>
          %dma_start3A_583 = arith.constant 0 : i32
          %dma_start3A_584 = arith.constant 0 : i32
          %dma_start3A_585 = tpu.memref_slice %arg4[%add3A, %add3A_417, %dma_start3A_583, %dma_start3A_584] : memref<32x32x15x128xi32, #tpu.memory_space<hbm>> -> memref<1x1x15x128xi32, #tpu.memory_space<hbm>>
          %dma_start3A_586 = tpu.memref_squeeze %dma_start3A_585 : memref<1x1x15x128xi32, #tpu.memory_space<hbm>> -> memref<15x128xi32, #tpu.memory_space<hbm>>
          tpu.enqueue_dma source(%dma_start3A_586 : memref<15x128xi32, #tpu.memory_space<hbm>>) target(%arg8 : memref<15x128xi32, #tpu.memory_space<vmem>>) target_semaphore(%run_scoped3A_578 : memref<!tpu.dma_semaphore, #tpu.memory_space<semaphore_mem>>)
          %dma_wait3A_587 = arith.constant 0 : i32
          %dma_wait3A_588 = arith.constant 0 : i32
          %dma_wait3A_589 = tpu.memref_slice %arg4[%add3A, %add3A_417, %dma_wait3A_587, %dma_wait3A_588] : memref<32x32x15x128xi32, #tpu.memory_space<hbm>> -> memref<1x1x15x128xi32, #tpu.memory_space<hbm>>
          %dma_wait3A_590 = tpu.memref_squeeze %dma_wait3A_589 : memref<1x1x15x128xi32, #tpu.memory_space<hbm>> -> memref<15x128xi32, #tpu.memory_space<hbm>>
          %dma_wait3A_591 = arith.constant 0 : i32
          %dma_wait3A_592 = arith.constant 0 : i32
          %dma_wait3A_593 = tpu.memref_slice %arg4[%add3A, %add3A_417, %dma_wait3A_591, %dma_wait3A_592] : memref<32x32x15x128xi32, #tpu.memory_space<hbm>> -> memref<1x1x15x128xi32, #tpu.memory_space<hbm>>
          %dma_wait3A_594 = tpu.memref_squeeze %dma_wait3A_593 : memref<1x1x15x128xi32, #tpu.memory_space<hbm>> -> memref<15x128xi32, #tpu.memory_space<hbm>>
          tpu.wait_dma2 semaphore(%run_scoped3A_578 : memref<!tpu.dma_semaphore, #tpu.memory_space<semaphore_mem>>) src(%dma_wait3A_594 : memref<15x128xi32, #tpu.memory_space<hbm>>) dst(%arg8 : memref<15x128xi32, #tpu.memory_space<vmem>>)
          tpu.yield
        }) : () -> ()
        "tpu.region"() ({
          %run_scoped3A_578 = tpu.sem_alloc : memref<!tpu.dma_semaphore, #tpu.memory_space<semaphore_mem>>
          %dma_start3A_579 = arith.constant 0 : i32
          %dma_start3A_580 = tpu.memref_slice %arg5[%add3A, %add3A_417, %dma_start3A_579] : memref<32x32x128xi32, #tpu.memory_space<hbm>> -> memref<1x1x128xi32, #tpu.memory_space<hbm>>
          %dma_start3A_581 = tpu.memref_squeeze %dma_start3A_580 : memref<1x1x128xi32, #tpu.memory_space<hbm>> -> memref<128xi32, #tpu.memory_space<hbm>>
          %dma_start3A_582 = arith.constant 0 : i32
          %dma_start3A_583 = tpu.memref_slice %arg5[%add3A, %add3A_417, %dma_start3A_582] : memref<32x32x128xi32, #tpu.memory_space<hbm>> -> memref<1x1x128xi32, #tpu.memory_space<hbm>>
          %dma_start3A_584 = tpu.memref_squeeze %dma_start3A_583 : memref<1x1x128xi32, #tpu.memory_space<hbm>> -> memref<128xi32, #tpu.memory_space<hbm>>
          tpu.enqueue_dma source(%dma_start3A_584 : memref<128xi32, #tpu.memory_space<hbm>>) target(%arg10 : memref<128xi32, #tpu.memory_space<vmem>>) target_semaphore(%run_scoped3A_578 : memref<!tpu.dma_semaphore, #tpu.memory_space<semaphore_mem>>)
          %dma_wait3A_585 = arith.constant 0 : i32
          %dma_wait3A_586 = tpu.memref_slice %arg5[%add3A, %add3A_417, %dma_wait3A_585] : memref<32x32x128xi32, #tpu.memory_space<hbm>> -> memref<1x1x128xi32, #tpu.memory_space<hbm>>
          %dma_wait3A_587 = tpu.memref_squeeze %dma_wait3A_586 : memref<1x1x128xi32, #tpu.memory_space<hbm>> -> memref<128xi32, #tpu.memory_space<hbm>>
          %dma_wait3A_588 = arith.constant 0 : i32
          %dma_wait3A_589 = tpu.memref_slice %arg5[%add3A, %add3A_417, %dma_wait3A_588] : memref<32x32x128xi32, #tpu.memory_space<hbm>> -> memref<1x1x128xi32, #tpu.memory_space<hbm>>
          %dma_wait3A_590 = tpu.memref_squeeze %dma_wait3A_589 : memref<1x1x128xi32, #tpu.memory_space<hbm>> -> memref<128xi32, #tpu.memory_space<hbm>>
          tpu.wait_dma2 semaphore(%run_scoped3A_578 : memref<!tpu.dma_semaphore, #tpu.memory_space<semaphore_mem>>) src(%dma_wait3A_590 : memref<128xi32, #tpu.memory_space<hbm>>) dst(%arg10 : memref<128xi32, #tpu.memory_space<vmem>>)
          tpu.yield
        }) : () -> ()
        %scan3A_418 = arith.constant 0 : i32
        %scan3A_419 = arith.constant 0 : i32
        %scan3A_420 = arith.constant 120 : i32
        %scan3A_421 = arith.addi %scan3A_419, %scan3A_420 : i32
        %scan3A_422 = arith.constant 1 : i32
        %scan3A_423 = scf.for %scan3A_578 = %scan3A_419 to %scan3A_421 step %scan3A_422 iter_args(%scan3A_579 = %scan3A_418) -> (i32)  : i32 {
          %jit3A = arith.constant 8 : i32
          %div3A = arith.divsi %scan3A_578, %jit3A : i32
          %sign3A = arith.constant 0 : i32
          %sign3A_580 = arith.cmpi sgt, %scan3A_578, %sign3A : i32
          %sign3A_581 = arith.extui %sign3A_580 : i1 to i32
          %sign3A_582 = arith.constant 0 : i32
          %sign3A_583 = arith.cmpi slt, %scan3A_578, %sign3A_582 : i32
          %sign3A_584 = arith.extui %sign3A_583 : i1 to i32
          %sign3A_585 = arith.subi %sign3A_581, %sign3A_584 : i32
          %sign3A_586 = arith.constant 0 : i32
          %sign3A_587 = arith.cmpi sgt, %jit3A, %sign3A_586 : i32
          %sign3A_588 = arith.extui %sign3A_587 : i1 to i32
          %sign3A_589 = arith.constant 0 : i32
          %sign3A_590 = arith.cmpi slt, %jit3A, %sign3A_589 : i32
          %sign3A_591 = arith.extui %sign3A_590 : i1 to i32
          %sign3A_592 = arith.subi %sign3A_588, %sign3A_591 : i32
          %ne3A = arith.cmpi ne, %sign3A_585, %sign3A_592 : i32
          %rem3A = arith.remsi %scan3A_578, %jit3A : i32
          %ne3A_593 = arith.constant 0 : i32
          %ne3A_594 = arith.cmpi ne, %rem3A, %ne3A_593 : i32
          %and3A = arith.andi %ne3A, %ne3A_594 : i1
          %sub3A = arith.constant 1 : i32
          %sub3A_595 = arith.subi %div3A, %sub3A : i32
          %select_n3A = arith.select %and3A, %sub3A_595, %div3A : i32
          %jit3A_596 = arith.constant 8 : i32
          %eq3A = arith.constant 0 : i32
          %eq3A_597 = arith.cmpi eq, %jit3A_596, %eq3A : i32
          %jit3A_598 = arith.constant 1 : i32
          %select_n3A_599 = arith.select %eq3A_597, %jit3A_598, %jit3A_596 : i32
          %rem3A_600 = arith.remsi %scan3A_578, %select_n3A_599 : i32
          %ne3A_601 = arith.constant 0 : i32
          %ne3A_602 = arith.cmpi ne, %rem3A_600, %ne3A_601 : i32
          %lt3A_603 = arith.constant 0 : i32
          %lt3A_604 = arith.cmpi slt, %rem3A_600, %lt3A_603 : i32
          %lt3A_605 = arith.constant 0 : i32
          %lt3A_606 = arith.cmpi slt, %select_n3A_599, %lt3A_605 : i32
          %ne3A_607 = arith.xori %lt3A_604, %lt3A_606 : i1
          %and3A_608 = arith.andi %ne3A_607, %ne3A_602 : i1
          %add3A_609 = arith.addi %rem3A_600, %select_n3A_599 : i32
          %select_n3A_610 = arith.select %and3A_608, %add3A_609, %rem3A_600 : i32
          %mul3A_611 = arith.constant 16 : i32
          %mul3A_612 = arith.muli %select_n3A_610, %mul3A_611 : i32
          %get3A = arith.index_cast %select_n3A : i32 to index
          %get3A_613 = arith.index_cast %mul3A_612 : i32 to index
          %get3A_614 = tpu.vector_load %arg8[%get3A, %get3A_613] {strides = array<i32>} : memref<15x128xi32, #tpu.memory_space<vmem>>, vector<1x16xi32>,
          %get3A_615 = vector.shape_cast %get3A_614 : vector<1x16xi32> to vector<16xi32>
          %get3A_616 = arith.index_cast %scan3A_579 : i32 to index
          %get3A_617 = tpu.vector_load %arg18[%get3A_616] {strides = array<i32>} : memref<256xi32, #tpu.memory_space<vmem>>, vector<16xi32>,
          %get3A_618 = vector.shape_cast %get3A_617 : vector<16xi32> to vector<16xi32>
          %mul3A_619 = arith.constant 5 : i32
          %mul3A_620 = vector.broadcast %mul3A_619 : i32 to vector<16xi32>
          %mul3A_621 = arith.muli %get3A_615, %mul3A_620 : vector<16xi32>
          %add3A_622 = arith.addi %mul3A_621, %get3A_618 : vector<16xi32>
          %swap3A = arith.index_cast %select_n3A : i32 to index
          %swap3A_623 = arith.index_cast %mul3A_612 : i32 to index
          %swap3A_624 = tpu.vector_load %arg8[%swap3A, %swap3A_623] {strides = array<i32>} : memref<15x128xi32, #tpu.memory_space<vmem>>, vector<1x16xi32>,
          %swap3A_625 = vector.shape_cast %swap3A_624 : vector<1x16xi32> to vector<16xi32>
          %swap3A_626 = vector.shape_cast %add3A_622 : vector<16xi32> to vector<1x16xi32>
          tpu.vector_store %arg8[%swap3A, %swap3A_623], %swap3A_626 {strides = array<i32>} : memref<15x128xi32, #tpu.memory_space<vmem>>, vector<1x16xi32>,
          %add3A_627 = arith.constant 16 : i32
          %add3A_628 = arith.addi %scan3A_579, %add3A_627 : i32
          %ge3A = arith.constant 240 : i32
          %ge3A_629 = arith.cmpi sge, %add3A_628, %ge3A : i32
          %sub3A_630 = arith.constant 240 : i32
          %sub3A_631 = arith.subi %add3A_628, %sub3A_630 : i32
          %select_n3A_632 = arith.select %ge3A_629, %sub3A_631, %add3A_628 : i32
          scf.yield %select_n3A_632 : i32
        }
        %scan3A_424 = arith.constant 120 : i32
        %dma_start3A_425 = arith.constant 0 : i32
        %dma_start3A_426 = arith.constant 0 : i32
        %dma_start3A_427 = arith.constant 0 : i32
        %dma_start3A_428 = tpu.memref_slice %arg12[%dma_start3A_426, %dma_start3A_427] : memref<1920x16xf32, #tpu.memory_space<vmem>> -> memref<128x16xf32, #tpu.memory_space<vmem>>
        %dma_start3A_429 = arith.constant 0 : i32
        %dma_start3A_430 = tpu.memref_slice %arg8[%dma_start3A_425, %dma_start3A_429] : memref<15x128xi32, #tpu.memory_space<vmem>> -> memref<1x128xi32, #tpu.memory_space<vmem>>
        %dma_start3A_431 = tpu.memref_squeeze %dma_start3A_430 : memref<1x128xi32, #tpu.memory_space<vmem>> -> memref<128xi32, #tpu.memory_space<vmem>>
        %dma_start3A_432 = arith.constant 0 : i32
        %dma_start3A_433 = arith.constant 0 : i32
        %dma_start3A_434 = tpu.memref_slice %arg2[%dma_start3A_432, %dma_start3A_433] : memref<61445x16xf32, #tpu.memory_space<hbm>> -> memref<61445x16xf32, #tpu.memory_space<hbm>>
        tpu.enqueue_indirect_dma source(%dma_start3A_434 : memref<61445x16xf32, #tpu.memory_space<hbm>>) target(%dma_start3A_428 : memref<128x16xf32, #tpu.memory_space<vmem>>) offsets(%dma_start3A_431 : memref<128xi32, #tpu.memory_space<vmem>>) semaphore(%arg19 : memref<!tpu.dma_semaphore, #tpu.memory_space<semaphore_mem>>)
        %dma_start3A_435 = arith.constant 1 : i32
        %dma_start3A_436 = arith.constant 128 : i32
        %dma_start3A_437 = arith.constant 0 : i32
        %dma_start3A_438 = tpu.memref_slice %arg12[%dma_start3A_436, %dma_start3A_437] : memref<1920x16xf32, #tpu.memory_space<vmem>> -> memref<128x16xf32, #tpu.memory_space<vmem>>
        %dma_start3A_439 = arith.constant 0 : i32
        %dma_start3A_440 = tpu.memref_slice %arg8[%dma_start3A_435, %dma_start3A_439] : memref<15x128xi32, #tpu.memory_space<vmem>> -> memref<1x128xi32, #tpu.memory_space<vmem>>
        %dma_start3A_441 = tpu.memref_squeeze %dma_start3A_440 : memref<1x128xi32, #tpu.memory_space<vmem>> -> memref<128xi32, #tpu.memory_space<vmem>>
        %dma_start3A_442 = arith.constant 0 : i32
        %dma_start3A_443 = arith.constant 0 : i32
        %dma_start3A_444 = tpu.memref_slice %arg2[%dma_start3A_442, %dma_start3A_443] : memref<61445x16xf32, #tpu.memory_space<hbm>> -> memref<61445x16xf32, #tpu.memory_space<hbm>>
        tpu.enqueue_indirect_dma source(%dma_start3A_444 : memref<61445x16xf32, #tpu.memory_space<hbm>>) target(%dma_start3A_438 : memref<128x16xf32, #tpu.memory_space<vmem>>) offsets(%dma_start3A_441 : memref<128xi32, #tpu.memory_space<vmem>>) semaphore(%arg19 : memref<!tpu.dma_semaphore, #tpu.memory_space<semaphore_mem>>)
        %dma_start3A_445 = arith.constant 2 : i32
        %dma_start3A_446 = arith.constant 256 : i32
        %dma_start3A_447 = arith.constant 0 : i32
        %dma_start3A_448 = tpu.memref_slice %arg12[%dma_start3A_446, %dma_start3A_447] : memref<1920x16xf32, #tpu.memory_space<vmem>> -> memref<128x16xf32, #tpu.memory_space<vmem>>
        %dma_start3A_449 = arith.constant 0 : i32
        %dma_start3A_450 = tpu.memref_slice %arg8[%dma_start3A_445, %dma_start3A_449] : memref<15x128xi32, #tpu.memory_space<vmem>> -> memref<1x128xi32, #tpu.memory_space<vmem>>
        %dma_start3A_451 = tpu.memref_squeeze %dma_start3A_450 : memref<1x128xi32, #tpu.memory_space<vmem>> -> memref<128xi32, #tpu.memory_space<vmem>>
        %dma_start3A_452 = arith.constant 0 : i32
        %dma_start3A_453 = arith.constant 0 : i32
        %dma_start3A_454 = tpu.memref_slice %arg2[%dma_start3A_452, %dma_start3A_453] : memref<61445x16xf32, #tpu.memory_space<hbm>> -> memref<61445x16xf32, #tpu.memory_space<hbm>>
        tpu.enqueue_indirect_dma source(%dma_start3A_454 : memref<61445x16xf32, #tpu.memory_space<hbm>>) target(%dma_start3A_448 : memref<128x16xf32, #tpu.memory_space<vmem>>) offsets(%dma_start3A_451 : memref<128xi32, #tpu.memory_space<vmem>>) semaphore(%arg19 : memref<!tpu.dma_semaphore, #tpu.memory_space<semaphore_mem>>)
        %dma_start3A_455 = arith.constant 3 : i32
        %dma_start3A_456 = arith.constant 384 : i32
        %dma_start3A_457 = arith.constant 0 : i32
        %dma_start3A_458 = tpu.memref_slice %arg12[%dma_start3A_456, %dma_start3A_457] : memref<1920x16xf32, #tpu.memory_space<vmem>> -> memref<128x16xf32, #tpu.memory_space<vmem>>
        %dma_start3A_459 = arith.constant 0 : i32
        %dma_start3A_460 = tpu.memref_slice %arg8[%dma_start3A_455, %dma_start3A_459] : memref<15x128xi32, #tpu.memory_space<vmem>> -> memref<1x128xi32, #tpu.memory_space<vmem>>
        %dma_start3A_461 = tpu.memref_squeeze %dma_start3A_460 : memref<1x128xi32, #tpu.memory_space<vmem>> -> memref<128xi32, #tpu.memory_space<vmem>>
        %dma_start3A_462 = arith.constant 0 : i32
        %dma_start3A_463 = arith.constant 0 : i32
        %dma_start3A_464 = tpu.memref_slice %arg2[%dma_start3A_462, %dma_start3A_463] : memref<61445x16xf32, #tpu.memory_space<hbm>> -> memref<61445x16xf32, #tpu.memory_space<hbm>>
        tpu.enqueue_indirect_dma source(%dma_start3A_464 : memref<61445x16xf32, #tpu.memory_space<hbm>>) target(%dma_start3A_458 : memref<128x16xf32, #tpu.memory_space<vmem>>) offsets(%dma_start3A_461 : memref<128xi32, #tpu.memory_space<vmem>>) semaphore(%arg19 : memref<!tpu.dma_semaphore, #tpu.memory_space<semaphore_mem>>)
        %dma_start3A_465 = arith.constant 4 : i32
        %dma_start3A_466 = arith.constant 512 : i32
        %dma_start3A_467 = arith.constant 0 : i32
        %dma_start3A_468 = tpu.memref_slice %arg12[%dma_start3A_466, %dma_start3A_467] : memref<1920x16xf32, #tpu.memory_space<vmem>> -> memref<128x16xf32, #tpu.memory_space<vmem>>
        %dma_start3A_469 = arith.constant 0 : i32
        %dma_start3A_470 = tpu.memref_slice %arg8[%dma_start3A_465, %dma_start3A_469] : memref<15x128xi32, #tpu.memory_space<vmem>> -> memref<1x128xi32, #tpu.memory_space<vmem>>
        %dma_start3A_471 = tpu.memref_squeeze %dma_start3A_470 : memref<1x128xi32, #tpu.memory_space<vmem>> -> memref<128xi32, #tpu.memory_space<vmem>>
        %dma_start3A_472 = arith.constant 0 : i32
        %dma_start3A_473 = arith.constant 0 : i32
        %dma_start3A_474 = tpu.memref_slice %arg2[%dma_start3A_472, %dma_start3A_473] : memref<61445x16xf32, #tpu.memory_space<hbm>> -> memref<61445x16xf32, #tpu.memory_space<hbm>>
        tpu.enqueue_indirect_dma source(%dma_start3A_474 : memref<61445x16xf32, #tpu.memory_space<hbm>>) target(%dma_start3A_468 : memref<128x16xf32, #tpu.memory_space<vmem>>) offsets(%dma_start3A_471 : memref<128xi32, #tpu.memory_space<vmem>>) semaphore(%arg19 : memref<!tpu.dma_semaphore, #tpu.memory_space<semaphore_mem>>)
        %dma_start3A_475 = arith.constant 5 : i32
        %dma_start3A_476 = arith.constant 640 : i32
        %dma_start3A_477 = arith.constant 0 : i32
        %dma_start3A_478 = tpu.memref_slice %arg12[%dma_start3A_476, %dma_start3A_477] : memref<1920x16xf32, #tpu.memory_space<vmem>> -> memref<128x16xf32, #tpu.memory_space<vmem>>
        %dma_start3A_479 = arith.constant 0 : i32
        %dma_start3A_480 = tpu.memref_slice %arg8[%dma_start3A_475, %dma_start3A_479] : memref<15x128xi32, #tpu.memory_space<vmem>> -> memref<1x128xi32, #tpu.memory_space<vmem>>
        %dma_start3A_481 = tpu.memref_squeeze %dma_start3A_480 : memref<1x128xi32, #tpu.memory_space<vmem>> -> memref<128xi32, #tpu.memory_space<vmem>>
        %dma_start3A_482 = arith.constant 0 : i32
        %dma_start3A_483 = arith.constant 0 : i32
        %dma_start3A_484 = tpu.memref_slice %arg2[%dma_start3A_482, %dma_start3A_483] : memref<61445x16xf32, #tpu.memory_space<hbm>> -> memref<61445x16xf32, #tpu.memory_space<hbm>>
        tpu.enqueue_indirect_dma source(%dma_start3A_484 : memref<61445x16xf32, #tpu.memory_space<hbm>>) target(%dma_start3A_478 : memref<128x16xf32, #tpu.memory_space<vmem>>) offsets(%dma_start3A_481 : memref<128xi32, #tpu.memory_space<vmem>>) semaphore(%arg19 : memref<!tpu.dma_semaphore, #tpu.memory_space<semaphore_mem>>)
        %dma_start3A_485 = arith.constant 6 : i32
        %dma_start3A_486 = arith.constant 768 : i32
        %dma_start3A_487 = arith.constant 0 : i32
        %dma_start3A_488 = tpu.memref_slice %arg12[%dma_start3A_486, %dma_start3A_487] : memref<1920x16xf32, #tpu.memory_space<vmem>> -> memref<128x16xf32, #tpu.memory_space<vmem>>
        %dma_start3A_489 = arith.constant 0 : i32
        %dma_start3A_490 = tpu.memref_slice %arg8[%dma_start3A_485, %dma_start3A_489] : memref<15x128xi32, #tpu.memory_space<vmem>> -> memref<1x128xi32, #tpu.memory_space<vmem>>
        %dma_start3A_491 = tpu.memref_squeeze %dma_start3A_490 : memref<1x128xi32, #tpu.memory_space<vmem>> -> memref<128xi32, #tpu.memory_space<vmem>>
        %dma_start3A_492 = arith.constant 0 : i32
        %dma_start3A_493 = arith.constant 0 : i32
        %dma_start3A_494 = tpu.memref_slice %arg2[%dma_start3A_492, %dma_start3A_493] : memref<61445x16xf32, #tpu.memory_space<hbm>> -> memref<61445x16xf32, #tpu.memory_space<hbm>>
        tpu.enqueue_indirect_dma source(%dma_start3A_494 : memref<61445x16xf32, #tpu.memory_space<hbm>>) target(%dma_start3A_488 : memref<128x16xf32, #tpu.memory_space<vmem>>) offsets(%dma_start3A_491 : memref<128xi32, #tpu.memory_space<vmem>>) semaphore(%arg19 : memref<!tpu.dma_semaphore, #tpu.memory_space<semaphore_mem>>)
        %dma_start3A_495 = arith.constant 7 : i32
        %dma_start3A_496 = arith.constant 896 : i32
        %dma_start3A_497 = arith.constant 0 : i32
        %dma_start3A_498 = tpu.memref_slice %arg12[%dma_start3A_496, %dma_start3A_497] : memref<1920x16xf32, #tpu.memory_space<vmem>> -> memref<128x16xf32, #tpu.memory_space<vmem>>
        %dma_start3A_499 = arith.constant 0 : i32
        %dma_start3A_500 = tpu.memref_slice %arg8[%dma_start3A_495, %dma_start3A_499] : memref<15x128xi32, #tpu.memory_space<vmem>> -> memref<1x128xi32, #tpu.memory_space<vmem>>
        %dma_start3A_501 = tpu.memref_squeeze %dma_start3A_500 : memref<1x128xi32, #tpu.memory_space<vmem>> -> memref<128xi32, #tpu.memory_space<vmem>>
        %dma_start3A_502 = arith.constant 0 : i32
        %dma_start3A_503 = arith.constant 0 : i32
        %dma_start3A_504 = tpu.memref_slice %arg2[%dma_start3A_502, %dma_start3A_503] : memref<61445x16xf32, #tpu.memory_space<hbm>> -> memref<61445x16xf32, #tpu.memory_space<hbm>>
        tpu.enqueue_indirect_dma source(%dma_start3A_504 : memref<61445x16xf32, #tpu.memory_space<hbm>>) target(%dma_start3A_498 : memref<128x16xf32, #tpu.memory_space<vmem>>) offsets(%dma_start3A_501 : memref<128xi32, #tpu.memory_space<vmem>>) semaphore(%arg19 : memref<!tpu.dma_semaphore, #tpu.memory_space<semaphore_mem>>)
        %dma_start3A_505 = arith.constant 8 : i32
        %dma_start3A_506 = arith.constant 1024 : i32
        %dma_start3A_507 = arith.constant 0 : i32
        %dma_start3A_508 = tpu.memref_slice %arg12[%dma_start3A_506, %dma_start3A_507] : memref<1920x16xf32, #tpu.memory_space<vmem>> -> memref<128x16xf32, #tpu.memory_space<vmem>>
        %dma_start3A_509 = arith.constant 0 : i32
        %dma_start3A_510 = tpu.memref_slice %arg8[%dma_start3A_505, %dma_start3A_509] : memref<15x128xi32, #tpu.memory_space<vmem>> -> memref<1x128xi32, #tpu.memory_space<vmem>>
        %dma_start3A_511 = tpu.memref_squeeze %dma_start3A_510 : memref<1x128xi32, #tpu.memory_space<vmem>> -> memref<128xi32, #tpu.memory_space<vmem>>
        %dma_start3A_512 = arith.constant 0 : i32
        %dma_start3A_513 = arith.constant 0 : i32
        %dma_start3A_514 = tpu.memref_slice %arg2[%dma_start3A_512, %dma_start3A_513] : memref<61445x16xf32, #tpu.memory_space<hbm>> -> memref<61445x16xf32, #tpu.memory_space<hbm>>
        tpu.enqueue_indirect_dma source(%dma_start3A_514 : memref<61445x16xf32, #tpu.memory_space<hbm>>) target(%dma_start3A_508 : memref<128x16xf32, #tpu.memory_space<vmem>>) offsets(%dma_start3A_511 : memref<128xi32, #tpu.memory_space<vmem>>) semaphore(%arg19 : memref<!tpu.dma_semaphore, #tpu.memory_space<semaphore_mem>>)
        %dma_start3A_515 = arith.constant 9 : i32
        %dma_start3A_516 = arith.constant 1152 : i32
        %dma_start3A_517 = arith.constant 0 : i32
        %dma_start3A_518 = tpu.memref_slice %arg12[%dma_start3A_516, %dma_start3A_517] : memref<1920x16xf32, #tpu.memory_space<vmem>> -> memref<128x16xf32, #tpu.memory_space<vmem>>
        %dma_start3A_519 = arith.constant 0 : i32
        %dma_start3A_520 = tpu.memref_slice %arg8[%dma_start3A_515, %dma_start3A_519] : memref<15x128xi32, #tpu.memory_space<vmem>> -> memref<1x128xi32, #tpu.memory_space<vmem>>
        %dma_start3A_521 = tpu.memref_squeeze %dma_start3A_520 : memref<1x128xi32, #tpu.memory_space<vmem>> -> memref<128xi32, #tpu.memory_space<vmem>>
        %dma_start3A_522 = arith.constant 0 : i32
        %dma_start3A_523 = arith.constant 0 : i32
        %dma_start3A_524 = tpu.memref_slice %arg2[%dma_start3A_522, %dma_start3A_523] : memref<61445x16xf32, #tpu.memory_space<hbm>> -> memref<61445x16xf32, #tpu.memory_space<hbm>>
        tpu.enqueue_indirect_dma source(%dma_start3A_524 : memref<61445x16xf32, #tpu.memory_space<hbm>>) target(%dma_start3A_518 : memref<128x16xf32, #tpu.memory_space<vmem>>) offsets(%dma_start3A_521 : memref<128xi32, #tpu.memory_space<vmem>>) semaphore(%arg19 : memref<!tpu.dma_semaphore, #tpu.memory_space<semaphore_mem>>)
        %dma_start3A_525 = arith.constant 10 : i32
        %dma_start3A_526 = arith.constant 1280 : i32
        %dma_start3A_527 = arith.constant 0 : i32
        %dma_start3A_528 = tpu.memref_slice %arg12[%dma_start3A_526, %dma_start3A_527] : memref<1920x16xf32, #tpu.memory_space<vmem>> -> memref<128x16xf32, #tpu.memory_space<vmem>>
        %dma_start3A_529 = arith.constant 0 : i32
        %dma_start3A_530 = tpu.memref_slice %arg8[%dma_start3A_525, %dma_start3A_529] : memref<15x128xi32, #tpu.memory_space<vmem>> -> memref<1x128xi32, #tpu.memory_space<vmem>>
        %dma_start3A_531 = tpu.memref_squeeze %dma_start3A_530 : memref<1x128xi32, #tpu.memory_space<vmem>> -> memref<128xi32, #tpu.memory_space<vmem>>
        %dma_start3A_532 = arith.constant 0 : i32
        %dma_start3A_533 = arith.constant 0 : i32
        %dma_start3A_534 = tpu.memref_slice %arg2[%dma_start3A_532, %dma_start3A_533] : memref<61445x16xf32, #tpu.memory_space<hbm>> -> memref<61445x16xf32, #tpu.memory_space<hbm>>
        tpu.enqueue_indirect_dma source(%dma_start3A_534 : memref<61445x16xf32, #tpu.memory_space<hbm>>) target(%dma_start3A_528 : memref<128x16xf32, #tpu.memory_space<vmem>>) offsets(%dma_start3A_531 : memref<128xi32, #tpu.memory_space<vmem>>) semaphore(%arg19 : memref<!tpu.dma_semaphore, #tpu.memory_space<semaphore_mem>>)
        %dma_start3A_535 = arith.constant 11 : i32
        %dma_start3A_536 = arith.constant 1408 : i32
        %dma_start3A_537 = arith.constant 0 : i32
        %dma_start3A_538 = tpu.memref_slice %arg12[%dma_start3A_536, %dma_start3A_537] : memref<1920x16xf32, #tpu.memory_space<vmem>> -> memref<128x16xf32, #tpu.memory_space<vmem>>
        %dma_start3A_539 = arith.constant 0 : i32
        %dma_start3A_540 = tpu.memref_slice %arg8[%dma_start3A_535, %dma_start3A_539] : memref<15x128xi32, #tpu.memory_space<vmem>> -> memref<1x128xi32, #tpu.memory_space<vmem>>
        %dma_start3A_541 = tpu.memref_squeeze %dma_start3A_540 : memref<1x128xi32, #tpu.memory_space<vmem>> -> memref<128xi32, #tpu.memory_space<vmem>>
        %dma_start3A_542 = arith.constant 0 : i32
        %dma_start3A_543 = arith.constant 0 : i32
        %dma_start3A_544 = tpu.memref_slice %arg2[%dma_start3A_542, %dma_start3A_543] : memref<61445x16xf32, #tpu.memory_space<hbm>> -> memref<61445x16xf32, #tpu.memory_space<hbm>>
        tpu.enqueue_indirect_dma source(%dma_start3A_544 : memref<61445x16xf32, #tpu.memory_space<hbm>>) target(%dma_start3A_538 : memref<128x16xf32, #tpu.memory_space<vmem>>) offsets(%dma_start3A_541 : memref<128xi32, #tpu.memory_space<vmem>>) semaphore(%arg19 : memref<!tpu.dma_semaphore, #tpu.memory_space<semaphore_mem>>)
        %dma_start3A_545 = arith.constant 12 : i32
        %dma_start3A_546 = arith.constant 1536 : i32
        %dma_start3A_547 = arith.constant 0 : i32
        %dma_start3A_548 = tpu.memref_slice %arg12[%dma_start3A_546, %dma_start3A_547] : memref<1920x16xf32, #tpu.memory_space<vmem>> -> memref<128x16xf32, #tpu.memory_space<vmem>>
        %dma_start3A_549 = arith.constant 0 : i32
        %dma_start3A_550 = tpu.memref_slice %arg8[%dma_start3A_545, %dma_start3A_549] : memref<15x128xi32, #tpu.memory_space<vmem>> -> memref<1x128xi32, #tpu.memory_space<vmem>>
        %dma_start3A_551 = tpu.memref_squeeze %dma_start3A_550 : memref<1x128xi32, #tpu.memory_space<vmem>> -> memref<128xi32, #tpu.memory_space<vmem>>
        %dma_start3A_552 = arith.constant 0 : i32
        %dma_start3A_553 = arith.constant 0 : i32
        %dma_start3A_554 = tpu.memref_slice %arg2[%dma_start3A_552, %dma_start3A_553] : memref<61445x16xf32, #tpu.memory_space<hbm>> -> memref<61445x16xf32, #tpu.memory_space<hbm>>
        tpu.enqueue_indirect_dma source(%dma_start3A_554 : memref<61445x16xf32, #tpu.memory_space<hbm>>) target(%dma_start3A_548 : memref<128x16xf32, #tpu.memory_space<vmem>>) offsets(%dma_start3A_551 : memref<128xi32, #tpu.memory_space<vmem>>) semaphore(%arg19 : memref<!tpu.dma_semaphore, #tpu.memory_space<semaphore_mem>>)
        %dma_start3A_555 = arith.constant 13 : i32
        %dma_start3A_556 = arith.constant 1664 : i32
        %dma_start3A_557 = arith.constant 0 : i32
        %dma_start3A_558 = tpu.memref_slice %arg12[%dma_start3A_556, %dma_start3A_557] : memref<1920x16xf32, #tpu.memory_space<vmem>> -> memref<128x16xf32, #tpu.memory_space<vmem>>
        %dma_start3A_559 = arith.constant 0 : i32
        %dma_start3A_560 = tpu.memref_slice %arg8[%dma_start3A_555, %dma_start3A_559] : memref<15x128xi32, #tpu.memory_space<vmem>> -> memref<1x128xi32, #tpu.memory_space<vmem>>
        %dma_start3A_561 = tpu.memref_squeeze %dma_start3A_560 : memref<1x128xi32, #tpu.memory_space<vmem>> -> memref<128xi32, #tpu.memory_space<vmem>>
        %dma_start3A_562 = arith.constant 0 : i32
        %dma_start3A_563 = arith.constant 0 : i32
        %dma_start3A_564 = tpu.memref_slice %arg2[%dma_start3A_562, %dma_start3A_563] : memref<61445x16xf32, #tpu.memory_space<hbm>> -> memref<61445x16xf32, #tpu.memory_space<hbm>>
        tpu.enqueue_indirect_dma source(%dma_start3A_564 : memref<61445x16xf32, #tpu.memory_space<hbm>>) target(%dma_start3A_558 : memref<128x16xf32, #tpu.memory_space<vmem>>) offsets(%dma_start3A_561 : memref<128xi32, #tpu.memory_space<vmem>>) semaphore(%arg19 : memref<!tpu.dma_semaphore, #tpu.memory_space<semaphore_mem>>)
        %dma_start3A_565 = arith.constant 14 : i32
        %dma_start3A_566 = arith.constant 1792 : i32
        %dma_start3A_567 = arith.constant 0 : i32
        %dma_start3A_568 = tpu.memref_slice %arg12[%dma_start3A_566, %dma_start3A_567] : memref<1920x16xf32, #tpu.memory_space<vmem>> -> memref<128x16xf32, #tpu.memory_space<vmem>>
        %dma_start3A_569 = arith.constant 0 : i32
        %dma_start3A_570 = tpu.memref_slice %arg8[%dma_start3A_565, %dma_start3A_569] : memref<15x128xi32, #tpu.memory_space<vmem>> -> memref<1x128xi32, #tpu.memory_space<vmem>>
        %dma_start3A_571 = tpu.memref_squeeze %dma_start3A_570 : memref<1x128xi32, #tpu.memory_space<vmem>> -> memref<128xi32, #tpu.memory_space<vmem>>
        %dma_start3A_572 = arith.constant 0 : i32
        %dma_start3A_573 = arith.constant 0 : i32
        %dma_start3A_574 = tpu.memref_slice %arg2[%dma_start3A_572, %dma_start3A_573] : memref<61445x16xf32, #tpu.memory_space<hbm>> -> memref<61445x16xf32, #tpu.memory_space<hbm>>
        tpu.enqueue_indirect_dma source(%dma_start3A_574 : memref<61445x16xf32, #tpu.memory_space<hbm>>) target(%dma_start3A_568 : memref<128x16xf32, #tpu.memory_space<vmem>>) offsets(%dma_start3A_571 : memref<128xi32, #tpu.memory_space<vmem>>) semaphore(%arg19 : memref<!tpu.dma_semaphore, #tpu.memory_space<semaphore_mem>>)
        %dma_start3A_575 = arith.constant 0 : i32
        %dma_start3A_576 = arith.constant 0 : i32
        %dma_start3A_577 = tpu.memref_slice %arg3[%dma_start3A_575, %dma_start3A_576] : memref<512x16xf32, #tpu.memory_space<hbm>> -> memref<512x16xf32, #tpu.memory_space<hbm>>
        tpu.enqueue_indirect_dma source(%dma_start3A_577 : memref<512x16xf32, #tpu.memory_space<hbm>>) target(%arg14 : memref<128x16xf32, #tpu.memory_space<vmem>>) offsets(%arg10 : memref<128xi32, #tpu.memory_space<vmem>>) semaphore(%arg19 : memref<!tpu.dma_semaphore, #tpu.memory_space<semaphore_mem>>)
      } else {
      }
      %dma_wait3A_381 = arith.constant 0 : i32
      %dma_wait3A_382 = arith.constant 0 : i32
      %dma_wait3A_383 = tpu.memref_slice %arg2[%dma_wait3A_381, %dma_wait3A_382] : memref<61445x16xf32, #tpu.memory_space<hbm>> -> memref<1920x16xf32, #tpu.memory_space<hbm>>
      %dma_wait3A_384 = arith.constant 0 : i32
      %dma_wait3A_385 = arith.constant 0 : i32
      %dma_wait3A_386 = tpu.memref_slice %arg2[%dma_wait3A_384, %dma_wait3A_385] : memref<61445x16xf32, #tpu.memory_space<hbm>> -> memref<1920x16xf32, #tpu.memory_space<hbm>>
      tpu.wait_dma2 semaphore(%arg20 : memref<!tpu.dma_semaphore, #tpu.memory_space<semaphore_mem>>) src(%dma_wait3A_386 : memref<1920x16xf32, #tpu.memory_space<hbm>>) dst(%arg13 : memref<1920x16xf32, #tpu.memory_space<vmem>>)
      %dma_wait3A_387 = arith.constant 0 : i32
      %dma_wait3A_388 = arith.constant 0 : i32
      %dma_wait3A_389 = tpu.memref_slice %arg3[%dma_wait3A_387, %dma_wait3A_388] : memref<512x16xf32, #tpu.memory_space<hbm>> -> memref<128x16xf32, #tpu.memory_space<hbm>>
      %dma_wait3A_390 = arith.constant 0 : i32
      %dma_wait3A_391 = arith.constant 0 : i32
      %dma_wait3A_392 = tpu.memref_slice %arg3[%dma_wait3A_390, %dma_wait3A_391] : memref<512x16xf32, #tpu.memory_space<hbm>> -> memref<128x16xf32, #tpu.memory_space<hbm>>
      tpu.wait_dma2 semaphore(%arg20 : memref<!tpu.dma_semaphore, #tpu.memory_space<semaphore_mem>>) src(%dma_wait3A_392 : memref<128x16xf32, #tpu.memory_space<hbm>>) dst(%arg15 : memref<128x16xf32, #tpu.memory_space<vmem>>)
      %gt3A_393 = arith.constant 0 : i32
      %gt3A_394 = arith.cmpi sgt, %scan3A_182, %gt3A_393 : i32
      %convert_element_type3A_395 = arith.extui %gt3A_394 : i1 to i32
      %cond3A_396 = arith.constant 0 : i32
      %cond3A_397 = arith.cmpi ne, %convert_element_type3A_395, %cond3A_396 : i32
      scf.if %cond3A_397 {
        %dma_wait3A_416 = arith.constant 0 : i32
        %dma_wait3A_417 = arith.constant 0 : i32
        %dma_wait3A_418 = tpu.memref_slice %arg7[%add3A, %dma_wait3A_416, %dma_wait3A_417] : memref<32x4096x16xf32, #tpu.memory_space<hbm>> -> memref<1x128x16xf32, #tpu.memory_space<hbm>>
        %dma_wait3A_419 = tpu.memref_squeeze %dma_wait3A_418 : memref<1x128x16xf32, #tpu.memory_space<hbm>> -> memref<128x16xf32, #tpu.memory_space<hbm>>
        %dma_wait3A_420 = arith.constant 0 : i32
        %dma_wait3A_421 = arith.constant 0 : i32
        %dma_wait3A_422 = tpu.memref_slice %arg7[%add3A, %dma_wait3A_420, %dma_wait3A_421] : memref<32x4096x16xf32, #tpu.memory_space<hbm>> -> memref<1x128x16xf32, #tpu.memory_space<hbm>>
        %dma_wait3A_423 = tpu.memref_squeeze %dma_wait3A_422 : memref<1x128x16xf32, #tpu.memory_space<hbm>> -> memref<128x16xf32, #tpu.memory_space<hbm>>
        tpu.wait_dma2 semaphore(%arg22 : memref<!tpu.dma_semaphore, #tpu.memory_space<semaphore_mem>>) src(%arg17 : memref<128x16xf32, #tpu.memory_space<vmem>>) dst(%dma_wait3A_423 : memref<128x16xf32, #tpu.memory_space<hbm>>)
      } else {
      }
      %scan3A_398 = arith.constant 0 : i32
      %scan3A_399 = arith.constant 0 : i32
      %scan3A_400 = arith.constant 64 : i32
      %scan3A_401 = arith.addi %scan3A_399, %scan3A_400 : i32
      %scan3A_402 = arith.constant 1 : i32
      %scan3A_403 = scf.for %scan3A_416 = %scan3A_399 to %scan3A_401 step %scan3A_402 iter_args(%scan3A_417 = %scan3A_398) -> (i32)  : i32 {
        %mul3A_418 = arith.constant 2 : i32
        %mul3A_419 = arith.muli %scan3A_416, %mul3A_418 : i32
        %add3A_420 = arith.constant 0 : i32
        %add3A_421 = arith.addi %mul3A_419, %add3A_420 : i32
        %mul3A_422 = arith.constant 15 : i32
        %mul3A_423 = arith.muli %add3A_421, %mul3A_422 : i32
        %get3A = arith.index_cast %add3A_421 : i32 to index
        %get3A_424 = arith.constant 0 : index
        %get3A_425 = tpu.vector_load %arg15[%get3A, %get3A_424] {strides = array<i32>} : memref<128x16xf32, #tpu.memory_space<vmem>>, vector<1x16xf32>,
        %get3A_426 = vector.shape_cast %get3A_425 : vector<1x16xf32> to vector<16xf32>
        %add3A_427 = arith.constant 0 : i32
        %add3A_428 = arith.addi %mul3A_423, %add3A_427 : i32
        %get3A_429 = arith.index_cast %add3A_428 : i32 to index
        %get3A_430 = arith.constant 0 : index
        %get3A_431 = tpu.vector_load %arg13[%get3A_429, %get3A_430] {strides = array<i32>} : memref<1920x16xf32, #tpu.memory_space<vmem>>, vector<1x16xf32>,
        %get3A_432 = vector.shape_cast %get3A_431 : vector<1x16xf32> to vector<16xf32>
        %add3A_433 = arith.addf %get3A_426, %get3A_432 : vector<16xf32>
        %add3A_434 = arith.constant 1 : i32
        %add3A_435 = arith.addi %mul3A_423, %add3A_434 : i32
        %get3A_436 = arith.index_cast %add3A_435 : i32 to index
        %get3A_437 = arith.constant 0 : index
        %get3A_438 = tpu.vector_load %arg13[%get3A_436, %get3A_437] {strides = array<i32>} : memref<1920x16xf32, #tpu.memory_space<vmem>>, vector<1x16xf32>,
        %get3A_439 = vector.shape_cast %get3A_438 : vector<1x16xf32> to vector<16xf32>
        %add3A_440 = arith.addf %add3A_433, %get3A_439 : vector<16xf32>
        %add3A_441 = arith.constant 2 : i32
        %add3A_442 = arith.addi %mul3A_423, %add3A_441 : i32
        %get3A_443 = arith.index_cast %add3A_442 : i32 to index
        %get3A_444 = arith.constant 0 : index
        %get3A_445 = tpu.vector_load %arg13[%get3A_443, %get3A_444] {strides = array<i32>} : memref<1920x16xf32, #tpu.memory_space<vmem>>, vector<1x16xf32>,
        %get3A_446 = vector.shape_cast %get3A_445 : vector<1x16xf32> to vector<16xf32>
        %add3A_447 = arith.addf %add3A_440, %get3A_446 : vector<16xf32>
        %add3A_448 = arith.constant 3 : i32
        %add3A_449 = arith.addi %mul3A_423, %add3A_448 : i32
        %get3A_450 = arith.index_cast %add3A_449 : i32 to index
        %get3A_451 = arith.constant 0 : index
        %get3A_452 = tpu.vector_load %arg13[%get3A_450, %get3A_451] {strides = array<i32>} : memref<1920x16xf32, #tpu.memory_space<vmem>>, vector<1x16xf32>,
        %get3A_453 = vector.shape_cast %get3A_452 : vector<1x16xf32> to vector<16xf32>
        %add3A_454 = arith.addf %add3A_447, %get3A_453 : vector<16xf32>
        %add3A_455 = arith.constant 4 : i32
        %add3A_456 = arith.addi %mul3A_423, %add3A_455 : i32
        %get3A_457 = arith.index_cast %add3A_456 : i32 to index
        %get3A_458 = arith.constant 0 : index
        %get3A_459 = tpu.vector_load %arg13[%get3A_457, %get3A_458] {strides = array<i32>} : memref<1920x16xf32, #tpu.memory_space<vmem>>, vector<1x16xf32>,
        %get3A_460 = vector.shape_cast %get3A_459 : vector<1x16xf32> to vector<16xf32>
        %add3A_461 = arith.addf %add3A_454, %get3A_460 : vector<16xf32>
        %add3A_462 = arith.constant 5 : i32
        %add3A_463 = arith.addi %mul3A_423, %add3A_462 : i32
        %get3A_464 = arith.index_cast %add3A_463 : i32 to index
        %get3A_465 = arith.constant 0 : index
        %get3A_466 = tpu.vector_load %arg13[%get3A_464, %get3A_465] {strides = array<i32>} : memref<1920x16xf32, #tpu.memory_space<vmem>>, vector<1x16xf32>,
        %get3A_467 = vector.shape_cast %get3A_466 : vector<1x16xf32> to vector<16xf32>
        %add3A_468 = arith.addf %add3A_461, %get3A_467 : vector<16xf32>
        %add3A_469 = arith.constant 6 : i32
        %add3A_470 = arith.addi %mul3A_423, %add3A_469 : i32
        %get3A_471 = arith.index_cast %add3A_470 : i32 to index
        %get3A_472 = arith.constant 0 : index
        %get3A_473 = tpu.vector_load %arg13[%get3A_471, %get3A_472] {strides = array<i32>} : memref<1920x16xf32, #tpu.memory_space<vmem>>, vector<1x16xf32>,
        %get3A_474 = vector.shape_cast %get3A_473 : vector<1x16xf32> to vector<16xf32>
        %add3A_475 = arith.addf %add3A_468, %get3A_474 : vector<16xf32>
        %add3A_476 = arith.constant 7 : i32
        %add3A_477 = arith.addi %mul3A_423, %add3A_476 : i32
        %get3A_478 = arith.index_cast %add3A_477 : i32 to index
        %get3A_479 = arith.constant 0 : index
        %get3A_480 = tpu.vector_load %arg13[%get3A_478, %get3A_479] {strides = array<i32>} : memref<1920x16xf32, #tpu.memory_space<vmem>>, vector<1x16xf32>,
        %get3A_481 = vector.shape_cast %get3A_480 : vector<1x16xf32> to vector<16xf32>
        %add3A_482 = arith.addf %add3A_475, %get3A_481 : vector<16xf32>
        %add3A_483 = arith.constant 8 : i32
        %add3A_484 = arith.addi %mul3A_423, %add3A_483 : i32
        %get3A_485 = arith.index_cast %add3A_484 : i32 to index
        %get3A_486 = arith.constant 0 : index
        %get3A_487 = tpu.vector_load %arg13[%get3A_485, %get3A_486] {strides = array<i32>} : memref<1920x16xf32, #tpu.memory_space<vmem>>, vector<1x16xf32>,
        %get3A_488 = vector.shape_cast %get3A_487 : vector<1x16xf32> to vector<16xf32>
        %add3A_489 = arith.addf %add3A_482, %get3A_488 : vector<16xf32>
        %add3A_490 = arith.constant 9 : i32
        %add3A_491 = arith.addi %mul3A_423, %add3A_490 : i32
        %get3A_492 = arith.index_cast %add3A_491 : i32 to index
        %get3A_493 = arith.constant 0 : index
        %get3A_494 = tpu.vector_load %arg13[%get3A_492, %get3A_493] {strides = array<i32>} : memref<1920x16xf32, #tpu.memory_space<vmem>>, vector<1x16xf32>,
        %get3A_495 = vector.shape_cast %get3A_494 : vector<1x16xf32> to vector<16xf32>
        %add3A_496 = arith.addf %add3A_489, %get3A_495 : vector<16xf32>
        %add3A_497 = arith.constant 10 : i32
        %add3A_498 = arith.addi %mul3A_423, %add3A_497 : i32
        %get3A_499 = arith.index_cast %add3A_498 : i32 to index
        %get3A_500 = arith.constant 0 : index
        %get3A_501 = tpu.vector_load %arg13[%get3A_499, %get3A_500] {strides = array<i32>} : memref<1920x16xf32, #tpu.memory_space<vmem>>, vector<1x16xf32>,
        %get3A_502 = vector.shape_cast %get3A_501 : vector<1x16xf32> to vector<16xf32>
        %add3A_503 = arith.addf %add3A_496, %get3A_502 : vector<16xf32>
        %add3A_504 = arith.constant 11 : i32
        %add3A_505 = arith.addi %mul3A_423, %add3A_504 : i32
        %get3A_506 = arith.index_cast %add3A_505 : i32 to index
        %get3A_507 = arith.constant 0 : index
        %get3A_508 = tpu.vector_load %arg13[%get3A_506, %get3A_507] {strides = array<i32>} : memref<1920x16xf32, #tpu.memory_space<vmem>>, vector<1x16xf32>,
        %get3A_509 = vector.shape_cast %get3A_508 : vector<1x16xf32> to vector<16xf32>
        %add3A_510 = arith.addf %add3A_503, %get3A_509 : vector<16xf32>
        %add3A_511 = arith.constant 12 : i32
        %add3A_512 = arith.addi %mul3A_423, %add3A_511 : i32
        %get3A_513 = arith.index_cast %add3A_512 : i32 to index
        %get3A_514 = arith.constant 0 : index
        %get3A_515 = tpu.vector_load %arg13[%get3A_513, %get3A_514] {strides = array<i32>} : memref<1920x16xf32, #tpu.memory_space<vmem>>, vector<1x16xf32>,
        %get3A_516 = vector.shape_cast %get3A_515 : vector<1x16xf32> to vector<16xf32>
        %add3A_517 = arith.addf %add3A_510, %get3A_516 : vector<16xf32>
        %add3A_518 = arith.constant 13 : i32
        %add3A_519 = arith.addi %mul3A_423, %add3A_518 : i32
        %get3A_520 = arith.index_cast %add3A_519 : i32 to index
        %get3A_521 = arith.constant 0 : index
        %get3A_522 = tpu.vector_load %arg13[%get3A_520, %get3A_521] {strides = array<i32>} : memref<1920x16xf32, #tpu.memory_space<vmem>>, vector<1x16xf32>,
        %get3A_523 = vector.shape_cast %get3A_522 : vector<1x16xf32> to vector<16xf32>
        %add3A_524 = arith.addf %add3A_517, %get3A_523 : vector<16xf32>
        %add3A_525 = arith.constant 14 : i32
        %add3A_526 = arith.addi %mul3A_423, %add3A_525 : i32
        %get3A_527 = arith.index_cast %add3A_526 : i32 to index
        %get3A_528 = arith.constant 0 : index
        %get3A_529 = tpu.vector_load %arg13[%get3A_527, %get3A_528] {strides = array<i32>} : memref<1920x16xf32, #tpu.memory_space<vmem>>, vector<1x16xf32>,
        %get3A_530 = vector.shape_cast %get3A_529 : vector<1x16xf32> to vector<16xf32>
        %add3A_531 = arith.addf %add3A_524, %get3A_530 : vector<16xf32>
        %swap3A = arith.index_cast %add3A_421 : i32 to index
        %swap3A_532 = arith.constant 0 : index
        %swap3A_533 = tpu.vector_load %arg17[%swap3A, %swap3A_532] {strides = array<i32>} : memref<128x16xf32, #tpu.memory_space<vmem>>, vector<1x16xf32>,
        %swap3A_534 = vector.shape_cast %swap3A_533 : vector<1x16xf32> to vector<16xf32>
        %swap3A_535 = vector.shape_cast %add3A_531 : vector<16xf32> to vector<1x16xf32>
        tpu.vector_store %arg17[%swap3A, %swap3A_532], %swap3A_535 {strides = array<i32>} : memref<128x16xf32, #tpu.memory_space<vmem>>, vector<1x16xf32>,
        %mul3A_536 = arith.constant 2 : i32
        %mul3A_537 = arith.muli %scan3A_416, %mul3A_536 : i32
        %add3A_538 = arith.constant 1 : i32
        %add3A_539 = arith.addi %mul3A_537, %add3A_538 : i32
        %mul3A_540 = arith.constant 15 : i32
        %mul3A_541 = arith.muli %add3A_539, %mul3A_540 : i32
        %get3A_542 = arith.index_cast %add3A_539 : i32 to index
        %get3A_543 = arith.constant 0 : index
        %get3A_544 = tpu.vector_load %arg15[%get3A_542, %get3A_543] {strides = array<i32>} : memref<128x16xf32, #tpu.memory_space<vmem>>, vector<1x16xf32>,
        %get3A_545 = vector.shape_cast %get3A_544 : vector<1x16xf32> to vector<16xf32>
        %add3A_546 = arith.constant 0 : i32
        %add3A_547 = arith.addi %mul3A_541, %add3A_546 : i32
        %get3A_548 = arith.index_cast %add3A_547 : i32 to index
        %get3A_549 = arith.constant 0 : index
        %get3A_550 = tpu.vector_load %arg13[%get3A_548, %get3A_549] {strides = array<i32>} : memref<1920x16xf32, #tpu.memory_space<vmem>>, vector<1x16xf32>,
        %get3A_551 = vector.shape_cast %get3A_550 : vector<1x16xf32> to vector<16xf32>
        %add3A_552 = arith.addf %get3A_545, %get3A_551 : vector<16xf32>
        %add3A_553 = arith.constant 1 : i32
        %add3A_554 = arith.addi %mul3A_541, %add3A_553 : i32
        %get3A_555 = arith.index_cast %add3A_554 : i32 to index
        %get3A_556 = arith.constant 0 : index
        %get3A_557 = tpu.vector_load %arg13[%get3A_555, %get3A_556] {strides = array<i32>} : memref<1920x16xf32, #tpu.memory_space<vmem>>, vector<1x16xf32>,
        %get3A_558 = vector.shape_cast %get3A_557 : vector<1x16xf32> to vector<16xf32>
        %add3A_559 = arith.addf %add3A_552, %get3A_558 : vector<16xf32>
        %add3A_560 = arith.constant 2 : i32
        %add3A_561 = arith.addi %mul3A_541, %add3A_560 : i32
        %get3A_562 = arith.index_cast %add3A_561 : i32 to index
        %get3A_563 = arith.constant 0 : index
        %get3A_564 = tpu.vector_load %arg13[%get3A_562, %get3A_563] {strides = array<i32>} : memref<1920x16xf32, #tpu.memory_space<vmem>>, vector<1x16xf32>,
        %get3A_565 = vector.shape_cast %get3A_564 : vector<1x16xf32> to vector<16xf32>
        %add3A_566 = arith.addf %add3A_559, %get3A_565 : vector<16xf32>
        %add3A_567 = arith.constant 3 : i32
        %add3A_568 = arith.addi %mul3A_541, %add3A_567 : i32
        %get3A_569 = arith.index_cast %add3A_568 : i32 to index
        %get3A_570 = arith.constant 0 : index
        %get3A_571 = tpu.vector_load %arg13[%get3A_569, %get3A_570] {strides = array<i32>} : memref<1920x16xf32, #tpu.memory_space<vmem>>, vector<1x16xf32>,
        %get3A_572 = vector.shape_cast %get3A_571 : vector<1x16xf32> to vector<16xf32>
        %add3A_573 = arith.addf %add3A_566, %get3A_572 : vector<16xf32>
        %add3A_574 = arith.constant 4 : i32
        %add3A_575 = arith.addi %mul3A_541, %add3A_574 : i32
        %get3A_576 = arith.index_cast %add3A_575 : i32 to index
        %get3A_577 = arith.constant 0 : index
        %get3A_578 = tpu.vector_load %arg13[%get3A_576, %get3A_577] {strides = array<i32>} : memref<1920x16xf32, #tpu.memory_space<vmem>>, vector<1x16xf32>,
        %get3A_579 = vector.shape_cast %get3A_578 : vector<1x16xf32> to vector<16xf32>
        %add3A_580 = arith.addf %add3A_573, %get3A_579 : vector<16xf32>
        %add3A_581 = arith.constant 5 : i32
        %add3A_582 = arith.addi %mul3A_541, %add3A_581 : i32
        %get3A_583 = arith.index_cast %add3A_582 : i32 to index
        %get3A_584 = arith.constant 0 : index
        %get3A_585 = tpu.vector_load %arg13[%get3A_583, %get3A_584] {strides = array<i32>} : memref<1920x16xf32, #tpu.memory_space<vmem>>, vector<1x16xf32>,
        %get3A_586 = vector.shape_cast %get3A_585 : vector<1x16xf32> to vector<16xf32>
        %add3A_587 = arith.addf %add3A_580, %get3A_586 : vector<16xf32>
        %add3A_588 = arith.constant 6 : i32
        %add3A_589 = arith.addi %mul3A_541, %add3A_588 : i32
        %get3A_590 = arith.index_cast %add3A_589 : i32 to index
        %get3A_591 = arith.constant 0 : index
        %get3A_592 = tpu.vector_load %arg13[%get3A_590, %get3A_591] {strides = array<i32>} : memref<1920x16xf32, #tpu.memory_space<vmem>>, vector<1x16xf32>,
        %get3A_593 = vector.shape_cast %get3A_592 : vector<1x16xf32> to vector<16xf32>
        %add3A_594 = arith.addf %add3A_587, %get3A_593 : vector<16xf32>
        %add3A_595 = arith.constant 7 : i32
        %add3A_596 = arith.addi %mul3A_541, %add3A_595 : i32
        %get3A_597 = arith.index_cast %add3A_596 : i32 to index
        %get3A_598 = arith.constant 0 : index
        %get3A_599 = tpu.vector_load %arg13[%get3A_597, %get3A_598] {strides = array<i32>} : memref<1920x16xf32, #tpu.memory_space<vmem>>, vector<1x16xf32>,
        %get3A_600 = vector.shape_cast %get3A_599 : vector<1x16xf32> to vector<16xf32>
        %add3A_601 = arith.addf %add3A_594, %get3A_600 : vector<16xf32>
        %add3A_602 = arith.constant 8 : i32
        %add3A_603 = arith.addi %mul3A_541, %add3A_602 : i32
        %get3A_604 = arith.index_cast %add3A_603 : i32 to index
        %get3A_605 = arith.constant 0 : index
        %get3A_606 = tpu.vector_load %arg13[%get3A_604, %get3A_605] {strides = array<i32>} : memref<1920x16xf32, #tpu.memory_space<vmem>>, vector<1x16xf32>,
        %get3A_607 = vector.shape_cast %get3A_606 : vector<1x16xf32> to vector<16xf32>
        %add3A_608 = arith.addf %add3A_601, %get3A_607 : vector<16xf32>
        %add3A_609 = arith.constant 9 : i32
        %add3A_610 = arith.addi %mul3A_541, %add3A_609 : i32
        %get3A_611 = arith.index_cast %add3A_610 : i32 to index
        %get3A_612 = arith.constant 0 : index
        %get3A_613 = tpu.vector_load %arg13[%get3A_611, %get3A_612] {strides = array<i32>} : memref<1920x16xf32, #tpu.memory_space<vmem>>, vector<1x16xf32>,
        %get3A_614 = vector.shape_cast %get3A_613 : vector<1x16xf32> to vector<16xf32>
        %add3A_615 = arith.addf %add3A_608, %get3A_614 : vector<16xf32>
        %add3A_616 = arith.constant 10 : i32
        %add3A_617 = arith.addi %mul3A_541, %add3A_616 : i32
        %get3A_618 = arith.index_cast %add3A_617 : i32 to index
        %get3A_619 = arith.constant 0 : index
        %get3A_620 = tpu.vector_load %arg13[%get3A_618, %get3A_619] {strides = array<i32>} : memref<1920x16xf32, #tpu.memory_space<vmem>>, vector<1x16xf32>,
        %get3A_621 = vector.shape_cast %get3A_620 : vector<1x16xf32> to vector<16xf32>
        %add3A_622 = arith.addf %add3A_615, %get3A_621 : vector<16xf32>
        %add3A_623 = arith.constant 11 : i32
        %add3A_624 = arith.addi %mul3A_541, %add3A_623 : i32
        %get3A_625 = arith.index_cast %add3A_624 : i32 to index
        %get3A_626 = arith.constant 0 : index
        %get3A_627 = tpu.vector_load %arg13[%get3A_625, %get3A_626] {strides = array<i32>} : memref<1920x16xf32, #tpu.memory_space<vmem>>, vector<1x16xf32>,
        %get3A_628 = vector.shape_cast %get3A_627 : vector<1x16xf32> to vector<16xf32>
        %add3A_629 = arith.addf %add3A_622, %get3A_628 : vector<16xf32>
        %add3A_630 = arith.constant 12 : i32
        %add3A_631 = arith.addi %mul3A_541, %add3A_630 : i32
        %get3A_632 = arith.index_cast %add3A_631 : i32 to index
        %get3A_633 = arith.constant 0 : index
        %get3A_634 = tpu.vector_load %arg13[%get3A_632, %get3A_633] {strides = array<i32>} : memref<1920x16xf32, #tpu.memory_space<vmem>>, vector<1x16xf32>,
        %get3A_635 = vector.shape_cast %get3A_634 : vector<1x16xf32> to vector<16xf32>
        %add3A_636 = arith.addf %add3A_629, %get3A_635 : vector<16xf32>
        %add3A_637 = arith.constant 13 : i32
        %add3A_638 = arith.addi %mul3A_541, %add3A_637 : i32
        %get3A_639 = arith.index_cast %add3A_638 : i32 to index
        %get3A_640 = arith.constant 0 : index
        %get3A_641 = tpu.vector_load %arg13[%get3A_639, %get3A_640] {strides = array<i32>} : memref<1920x16xf32, #tpu.memory_space<vmem>>, vector<1x16xf32>,
        %get3A_642 = vector.shape_cast %get3A_641 : vector<1x16xf32> to vector<16xf32>
        %add3A_643 = arith.addf %add3A_636, %get3A_642 : vector<16xf32>
        %add3A_644 = arith.constant 14 : i32
        %add3A_645 = arith.addi %mul3A_541, %add3A_644 : i32
        %get3A_646 = arith.index_cast %add3A_645 : i32 to index
        %get3A_647 = arith.constant 0 : index
        %get3A_648 = tpu.vector_load %arg13[%get3A_646, %get3A_647] {strides = array<i32>} : memref<1920x16xf32, #tpu.memory_space<vmem>>, vector<1x16xf32>,
        %get3A_649 = vector.shape_cast %get3A_648 : vector<1x16xf32> to vector<16xf32>
        %add3A_650 = arith.addf %add3A_643, %get3A_649 : vector<16xf32>
        %swap3A_651 = arith.index_cast %add3A_539 : i32 to index
        %swap3A_652 = arith.constant 0 : index
        %swap3A_653 = tpu.vector_load %arg17[%swap3A_651, %swap3A_652] {strides = array<i32>} : memref<128x16xf32, #tpu.memory_space<vmem>>, vector<1x16xf32>,
        %swap3A_654 = vector.shape_cast %swap3A_653 : vector<1x16xf32> to vector<16xf32>
        %swap3A_655 = vector.shape_cast %add3A_650 : vector<16xf32> to vector<1x16xf32>
        tpu.vector_store %arg17[%swap3A_651, %swap3A_652], %swap3A_655 {strides = array<i32>} : memref<128x16xf32, #tpu.memory_space<vmem>>, vector<1x16xf32>,
        %scan3A_656 = arith.constant 0 : i32
        scf.yield %scan3A_656 : i32
      }
      %scan3A_404 = arith.constant 64 : i32
      %add3A_405 = arith.constant 1 : i32
      %add3A_406 = arith.addi %mul3A_185, %add3A_405 : i32
      %mul3A_407 = arith.constant 128 : i32
      %mul3A_408 = arith.muli %add3A_406, %mul3A_407 : i32
      %dma_start3A_409 = arith.constant 0 : i32
      %dma_start3A_410 = tpu.memref_slice %arg7[%add3A, %mul3A_408, %dma_start3A_409] : memref<32x4096x16xf32, #tpu.memory_space<hbm>> -> memref<1x128x16xf32, #tpu.memory_space<hbm>>
      %dma_start3A_411 = tpu.memref_squeeze %dma_start3A_410 : memref<1x128x16xf32, #tpu.memory_space<hbm>> -> memref<128x16xf32, #tpu.memory_space<hbm>>
      %dma_start3A_412 = arith.constant 0 : i32
      %dma_start3A_413 = tpu.memref_slice %arg7[%add3A, %mul3A_408, %dma_start3A_412] : memref<32x4096x16xf32, #tpu.memory_space<hbm>> -> memref<1x128x16xf32, #tpu.memory_space<hbm>>
      %dma_start3A_414 = tpu.memref_squeeze %dma_start3A_413 : memref<1x128x16xf32, #tpu.memory_space<hbm>> -> memref<128x16xf32, #tpu.memory_space<hbm>>
      tpu.enqueue_dma source(%arg17 : memref<128x16xf32, #tpu.memory_space<vmem>>) target(%dma_start3A_414 : memref<128x16xf32, #tpu.memory_space<hbm>>) target_semaphore(%arg22 : memref<!tpu.dma_semaphore, #tpu.memory_space<semaphore_mem>>)
      %scan3A_415 = arith.constant 0 : i32
      scf.yield %scan3A_415 : i32
    }
    %scan3A_166 = arith.constant 16 : i32
    %dma_wait3A = arith.constant 0 : i32
    %dma_wait3A_167 = arith.constant 0 : i32
    %dma_wait3A_168 = tpu.memref_slice %arg7[%add3A, %dma_wait3A, %dma_wait3A_167] : memref<32x4096x16xf32, #tpu.memory_space<hbm>> -> memref<1x128x16xf32, #tpu.memory_space<hbm>>
    %dma_wait3A_169 = tpu.memref_squeeze %dma_wait3A_168 : memref<1x128x16xf32, #tpu.memory_space<hbm>> -> memref<128x16xf32, #tpu.memory_space<hbm>>
    %dma_wait3A_170 = arith.constant 0 : i32
    %dma_wait3A_171 = arith.constant 0 : i32
    %dma_wait3A_172 = tpu.memref_slice %arg7[%add3A, %dma_wait3A_170, %dma_wait3A_171] : memref<32x4096x16xf32, #tpu.memory_space<hbm>> -> memref<1x128x16xf32, #tpu.memory_space<hbm>>
    %dma_wait3A_173 = tpu.memref_squeeze %dma_wait3A_172 : memref<1x128x16xf32, #tpu.memory_space<hbm>> -> memref<128x16xf32, #tpu.memory_space<hbm>>
    tpu.wait_dma2 semaphore(%arg21 : memref<!tpu.dma_semaphore, #tpu.memory_space<semaphore_mem>>) src(%arg16 : memref<128x16xf32, #tpu.memory_space<vmem>>) dst(%dma_wait3A_173 : memref<128x16xf32, #tpu.memory_space<hbm>>)
    %dma_wait3A_174 = arith.constant 0 : i32
    %dma_wait3A_175 = arith.constant 0 : i32
    %dma_wait3A_176 = tpu.memref_slice %arg7[%add3A, %dma_wait3A_174, %dma_wait3A_175] : memref<32x4096x16xf32, #tpu.memory_space<hbm>> -> memref<1x128x16xf32, #tpu.memory_space<hbm>>
    %dma_wait3A_177 = tpu.memref_squeeze %dma_wait3A_176 : memref<1x128x16xf32, #tpu.memory_space<hbm>> -> memref<128x16xf32, #tpu.memory_space<hbm>>
    %dma_wait3A_178 = arith.constant 0 : i32
    %dma_wait3A_179 = arith.constant 0 : i32
    %dma_wait3A_180 = tpu.memref_slice %arg7[%add3A, %dma_wait3A_178, %dma_wait3A_179] : memref<32x4096x16xf32, #tpu.memory_space<hbm>> -> memref<1x128x16xf32, #tpu.memory_space<hbm>>
    %dma_wait3A_181 = tpu.memref_squeeze %dma_wait3A_180 : memref<1x128x16xf32, #tpu.memory_space<hbm>> -> memref<128x16xf32, #tpu.memory_space<hbm>>
    tpu.wait_dma2 semaphore(%arg22 : memref<!tpu.dma_semaphore, #tpu.memory_space<semaphore_mem>>) src(%arg17 : memref<128x16xf32, #tpu.memory_space<vmem>>) dst(%dma_wait3A_181 : memref<128x16xf32, #tpu.memory_space<hbm>>)
    return
  }
}

module attributes {stable_mosaic.version = 14 : i64} {
  func.func @body(%arg0: memref<12289x16xf32, #tpu.memory_space<vmem>>, %arg1: memref<32768x1xf32, #tpu.memory_space<vmem>>, %arg2: memref<512x16xf32, #tpu.memory_space<vmem>>, %arg3: memref<12289x80xf32, #tpu.memory_space<vmem>>, %arg4: memref<512x16xf32, #tpu.memory_space<vmem>>) attributes {dimension_semantics = [], scalar_prefetch = 0 : i64, scratch_operands = 0 : i64, tpu.core_type = #tpu.core_type<tc>} {
    %get3A = arith.constant 0 : index
    %get3A_0 = arith.constant 0 : index
    %get3A_1 = vector.load %arg1[%get3A, %get3A_0] : memref<32768x1xf32, #tpu.memory_space<vmem>>, vector<32768x1xf32>
    %reshape3A = vector.shape_cast %get3A_1 : vector<32768x1xf32> to vector<128x16x16xf32>
    %slice3A = vector.extract_strided_slice %reshape3A {offsets = [0, 0, 0], sizes = [5, 16, 16], strides = [1, 1, 1]} : vector<128x16x16xf32> to vector<5x16x16xf32>
    %transpose3A = tpu.transpose %slice3A, [1, 0, 2] : vector<5x16x16xf32> -> vector<16x5x16xf32>
    %reshape3A_2 = vector.shape_cast %transpose3A : vector<16x5x16xf32> to vector<16x80xf32>
    %div3A = arith.constant 3.000000e+00 : f32
    %div3A_3 = vector.broadcast %div3A : f32 to vector<16x80xf32>
    %div3A_4 = arith.divf %reshape3A_2, %div3A_3 : vector<16x80xf32>
    %get3A_5 = arith.constant 0 : index
    %get3A_6 = arith.constant 0 : index
    %get3A_7 = vector.load %arg0[%get3A_5, %get3A_6] : memref<12289x16xf32, #tpu.memory_space<vmem>>, vector<12289x16xf32>
    %dot_general3A = arith.constant dense<0.000000e+00> : vector<12289x80xf32>
    %dot_general3A_8 = tpu.matmul %get3A_7, %div3A_4, %dot_general3A {dimension_numbers = #tpu.dot_dimension_numbers<[1], [0], [0], [1], [0, 0, 1, 1], [], []>, transpose_lhs_hint = false} : vector<12289x16xf32>, vector<16x80xf32>, vector<12289x80xf32> -> vector<12289x80xf32>
    %swap3A = arith.constant 0 : index
    %swap3A_9 = arith.constant 0 : index
    %swap3A_10 = vector.load %arg3[%swap3A, %swap3A_9] : memref<12289x80xf32, #tpu.memory_space<vmem>>, vector<12289x80xf32>
    tpu.vector_store %arg3[%swap3A, %swap3A_9], %dot_general3A_8 {strides = array<i32>} : memref<12289x80xf32, #tpu.memory_space<vmem>>, vector<12289x80xf32>,
    %iota3A = tpu.iota {dimensions = array<i32: 1>} : vector<1x512xi32>
    %iota3A_11 = vector.shape_cast %iota3A : vector<1x512xi32> to vector<512xi32>
    %eq3A = arith.constant 0 : i32
    %eq3A_12 = vector.broadcast %eq3A : i32 to vector<512xi32>
    %eq3A_13 = arith.cmpi eq, %iota3A_11, %eq3A_12 : vector<512xi32>
    %jit3A = arith.constant 1 : i32
    %broadcast_in_dim3A = vector.broadcast %jit3A : i32 to vector<512xi32>
    %select_n3A = arith.select %eq3A_13, %broadcast_in_dim3A, %iota3A_11 : vector<512xi1>, vector<512xi32>
    %gt3A = arith.constant 1 : i32
    %gt3A_14 = vector.broadcast %gt3A : i32 to vector<512xi32>
    %gt3A_15 = arith.cmpi sgt, %select_n3A, %gt3A_14 : vector<512xi32>
    %sub3A = arith.constant 1 : i32
    %sub3A_16 = vector.broadcast %sub3A : i32 to vector<512xi32>
    %sub3A_17 = arith.subi %select_n3A, %sub3A_16 : vector<512xi32>
    %select_n3A_18 = arith.select %gt3A_15, %sub3A_17, %select_n3A : vector<512xi1>, vector<512xi32>
    %jit3A_19 = arith.constant 0 : i32
    %jit3A_20 = arith.constant 5 : i32
    %max3A = vector.broadcast %jit3A_19 : i32 to vector<512xi32>
    %max3A_21 = arith.maxsi %max3A, %select_n3A_18 : vector<512xi32>
    %min3A = vector.broadcast %jit3A_20 : i32 to vector<512xi32>
    %min3A_22 = arith.minsi %min3A, %max3A_21 : vector<512xi32>
    %convert_element_type3A = arith.sitofp %min3A_22 : vector<512xi32> to vector<512xf32>
    %get3A_23 = arith.constant 0 : index
    %get3A_24 = arith.constant 0 : index
    %get3A_25 = vector.load %arg2[%get3A_23, %get3A_24] : memref<512x16xf32, #tpu.memory_space<vmem>>, vector<512x16xf32>
    %broadcast_in_dim3A_26 = vector.shape_cast %convert_element_type3A : vector<512xf32> to vector<512x1xf32>
    %mul3A = vector.broadcast %broadcast_in_dim3A_26 : vector<512x1xf32> to vector<512x16xf32>
    %mul3A_27 = arith.mulf %get3A_25, %mul3A : vector<512x16xf32>
    %swap3A_28 = arith.constant 0 : index
    %swap3A_29 = arith.constant 0 : index
    %swap3A_30 = vector.load %arg4[%swap3A_28, %swap3A_29] : memref<512x16xf32, #tpu.memory_space<vmem>>, vector<512x16xf32>
    tpu.vector_store %arg4[%swap3A_28, %swap3A_29], %mul3A_27 {strides = array<i32>} : memref<512x16xf32, #tpu.memory_space<vmem>>, vector<512x16xf32>,
    return
  }
}

module attributes {stable_mosaic.version = 14 : i64} {
  func.func @body(%arg0: i32, %arg1: memref<1x16x4096xf32, #tpu.memory_space<vmem>>, %arg2: memref<1x1x4096xi32, #tpu.memory_space<vmem>>, %arg3: memref<1x65x65xf32, #tpu.memory_space<vmem>>, %arg4: memref<1x16xf32, #tpu.memory_space<vmem>>, %arg5: memref<1x16x65x65xf32, #tpu.memory_space<vmem>>) attributes {dimension_semantics = [#tpu.dimension_semantics<arbitrary>], iteration_bounds = array<i64: 32>, scalar_prefetch = 0 : i64, scratch_operands = 0 : i64, tpu.core_type = #tpu.core_type<tc>, window_params = [{transform_indices = @transform_0, window_bounds = array<i64: 1, 16, 4096>}, {transform_indices = @transform_1, window_bounds = array<i64: 1, 1, 4096>}, {transform_indices = @transform_2, window_bounds = array<i64: 1, 65, 65>}, {pipeline_mode = #tpu.pipeline_mode<synchronous>, transform_indices = @transform_3, window_bounds = array<i64: 1, 16>}, {transform_indices = @transform_4, window_bounds = array<i64: 1, 16, 65, 65>}]} {
    %get3A = arith.constant 0 : index
    %get3A_0 = arith.constant 0 : index
    %get3A_1 = arith.constant 0 : index
    %get3A_2 = vector.load %arg2[%get3A, %get3A_0, %get3A_1] : memref<1x1x4096xi32, #tpu.memory_space<vmem>>, vector<1x1x4096xi32>
    %get3A_3 = vector.shape_cast %get3A_2 : vector<1x1x4096xi32> to vector<1x4096xi32>
    %eq3A = arith.constant 0 : i32
    %eq3A_4 = vector.broadcast %eq3A : i32 to vector<1x4096xi32>
    %eq3A_5 = arith.cmpi eq, %get3A_3, %eq3A_4 : vector<1x4096xi32>
    %jit3A = arith.constant 1 : i32
    %broadcast_in_dim3A = vector.broadcast %jit3A : i32 to vector<1x4096xi32>
    %select_n3A = arith.select %eq3A_5, %broadcast_in_dim3A, %get3A_3 : vector<1x4096xi1>, vector<1x4096xi32>
    %gt3A = arith.constant 1 : i32
    %gt3A_6 = vector.broadcast %gt3A : i32 to vector<1x4096xi32>
    %gt3A_7 = arith.cmpi sgt, %select_n3A, %gt3A_6 : vector<1x4096xi32>
    %sub3A = arith.constant 1 : i32
    %sub3A_8 = vector.broadcast %sub3A : i32 to vector<1x4096xi32>
    %sub3A_9 = arith.subi %select_n3A, %sub3A_8 : vector<1x4096xi32>
    %select_n3A_10 = arith.select %gt3A_7, %sub3A_9, %select_n3A : vector<1x4096xi1>, vector<1x4096xi32>
    %jit3A_11 = arith.constant 0 : i32
    %jit3A_12 = arith.constant 5 : i32
    %max3A = vector.broadcast %jit3A_11 : i32 to vector<1x4096xi32>
    %max3A_13 = arith.maxsi %max3A, %select_n3A_10 : vector<1x4096xi32>
    %min3A = vector.broadcast %jit3A_12 : i32 to vector<1x4096xi32>
    %min3A_14 = arith.minsi %min3A, %max3A_13 : vector<1x4096xi32>
    %convert_element_type3A = arith.sitofp %min3A_14 : vector<1x4096xi32> to vector<1x4096xf32>
    %div3A = arith.constant 1.000000e+00 : f32
    %div3A_15 = vector.broadcast %div3A : f32 to vector<1x4096xf32>
    %div3A_16 = arith.divf %div3A_15, %convert_element_type3A : vector<1x4096xf32>
    %get3A_17 = arith.constant 0 : index
    %get3A_18 = arith.constant 0 : index
    %get3A_19 = arith.constant 0 : index
    %get3A_20 = vector.load %arg1[%get3A_17, %get3A_18, %get3A_19] : memref<1x16x4096xf32, #tpu.memory_space<vmem>>, vector<1x16x4096xf32>
    %get3A_21 = vector.shape_cast %get3A_20 : vector<1x16x4096xf32> to vector<16x4096xf32>
    %mul3A = vector.broadcast %div3A_16 : vector<1x4096xf32> to vector<16x4096xf32>
    %mul3A_22 = arith.mulf %get3A_21, %mul3A : vector<16x4096xf32>
    %reshape3A = vector.shape_cast %mul3A_22 : vector<16x4096xf32> to vector<16x64x64xf32>
    %get3A_23 = arith.constant 0 : index
    %get3A_24 = arith.constant 0 : index
    %get3A_25 = arith.constant 0 : index
    %get3A_26 = vector.load %arg3[%get3A_23, %get3A_24, %get3A_25] : memref<1x65x65xf32, #tpu.memory_space<vmem>>, vector<1x65x65xf32>
    %get3A_27 = vector.shape_cast %get3A_26 : vector<1x65x65xf32> to vector<65x65xf32>
    %get3A_28 = arith.constant 0 : index
    %get3A_29 = arith.constant 0 : index
    %get3A_30 = vector.load %arg4[%get3A_28, %get3A_29] : memref<1x16xf32, #tpu.memory_space<vmem>>, vector<1x16xf32>
    %get3A_31 = vector.shape_cast %get3A_30 : vector<1x16xf32> to vector<16xf32>
    %slice3A = vector.extract_strided_slice %get3A_27 {offsets = [1, 1], sizes = [64, 64], strides = [1, 1]} : vector<65x65xf32> to vector<64x64xf32>
    %broadcast_in_dim3A_32 = vector.shape_cast %slice3A : vector<64x64xf32> to vector<1x64x64xf32>
    %mul3A_33 = arith.constant 2.000000e+00 : f32
    %mul3A_34 = vector.broadcast %mul3A_33 : f32 to vector<1x64x64xf32>
    %mul3A_35 = arith.mulf %mul3A_34, %broadcast_in_dim3A_32 : vector<1x64x64xf32>
    %add3A = vector.broadcast %mul3A_35 : vector<1x64x64xf32> to vector<16x64x64xf32>
    %add3A_36 = arith.addf %add3A, %reshape3A : vector<16x64x64xf32>
    %swap3A = arith.constant 0 : index
    %swap3A_37 = arith.constant 0 : index
    %swap3A_38 = arith.constant 1 : index
    %swap3A_39 = arith.constant 1 : index
    %swap3A_40 = vector.load %arg5[%swap3A, %swap3A_37, %swap3A_38, %swap3A_39] : memref<1x16x65x65xf32, #tpu.memory_space<vmem>>, vector<1x16x64x64xf32>
    %swap3A_41 = vector.shape_cast %swap3A_40 : vector<1x16x64x64xf32> to vector<16x64x64xf32>
    %swap3A_42 = vector.shape_cast %add3A_36 : vector<16x64x64xf32> to vector<1x16x64x64xf32>
    tpu.vector_store %arg5[%swap3A, %swap3A_37, %swap3A_38, %swap3A_39], %swap3A_42 {strides = array<i32>} : memref<1x16x65x65xf32, #tpu.memory_space<vmem>>, vector<1x16x64x64xf32>,
    %slice3A_43 = vector.extract_strided_slice %get3A_27 {offsets = [0, 0], sizes = [1, 65], strides = [1, 1]} : vector<65x65xf32> to vector<1x65xf32>
    %broadcast_in_dim3A_44 = vector.shape_cast %slice3A_43 : vector<1x65xf32> to vector<1x1x65xf32>
    %mul3A_45 = arith.constant 2.000000e+00 : f32
    %mul3A_46 = vector.broadcast %mul3A_45 : f32 to vector<1x1x65xf32>
    %mul3A_47 = arith.mulf %mul3A_46, %broadcast_in_dim3A_44 : vector<1x1x65xf32>
    %broadcast_in_dim3A_48 = vector.shape_cast %get3A_31 : vector<16xf32> to vector<16x1x1xf32>
    %add3A_49 = vector.broadcast %mul3A_47 : vector<1x1x65xf32> to vector<16x1x65xf32>
    %add3A_50 = vector.broadcast %broadcast_in_dim3A_48 : vector<16x1x1xf32> to vector<16x1x65xf32>
    %add3A_51 = arith.addf %add3A_49, %add3A_50 : vector<16x1x65xf32>
    %swap3A_52 = arith.constant 0 : index
    %swap3A_53 = arith.constant 0 : index
    %swap3A_54 = arith.constant 0 : index
    %swap3A_55 = arith.constant 0 : index
    %swap3A_56 = vector.load %arg5[%swap3A_52, %swap3A_53, %swap3A_54, %swap3A_55] : memref<1x16x65x65xf32, #tpu.memory_space<vmem>>, vector<1x16x1x65xf32>
    %swap3A_57 = vector.shape_cast %swap3A_56 : vector<1x16x1x65xf32> to vector<16x1x65xf32>
    %swap3A_58 = vector.shape_cast %add3A_51 : vector<16x1x65xf32> to vector<1x16x1x65xf32>
    tpu.vector_store %arg5[%swap3A_52, %swap3A_53, %swap3A_54, %swap3A_55], %swap3A_58 {strides = array<i32>} : memref<1x16x65x65xf32, #tpu.memory_space<vmem>>, vector<1x16x1x65xf32>,
    %slice3A_59 = vector.extract_strided_slice %get3A_27 {offsets = [1, 0], sizes = [64, 1], strides = [1, 1]} : vector<65x65xf32> to vector<64x1xf32>
    %broadcast_in_dim3A_60 = vector.shape_cast %slice3A_59 : vector<64x1xf32> to vector<1x64x1xf32>
    %mul3A_61 = arith.constant 2.000000e+00 : f32
    %mul3A_62 = vector.broadcast %mul3A_61 : f32 to vector<1x64x1xf32>
    %mul3A_63 = arith.mulf %mul3A_62, %broadcast_in_dim3A_60 : vector<1x64x1xf32>
    %broadcast_in_dim3A_64 = vector.shape_cast %get3A_31 : vector<16xf32> to vector<16x1x1xf32>
    %add3A_65 = vector.broadcast %mul3A_63 : vector<1x64x1xf32> to vector<16x64x1xf32>
    %add3A_66 = vector.broadcast %broadcast_in_dim3A_64 : vector<16x1x1xf32> to vector<16x64x1xf32>
    %add3A_67 = arith.addf %add3A_65, %add3A_66 : vector<16x64x1xf32>
    %swap3A_68 = arith.constant 0 : index
    %swap3A_69 = arith.constant 0 : index
    %swap3A_70 = arith.constant 1 : index
    %swap3A_71 = arith.constant 0 : index
    %swap3A_72 = vector.load %arg5[%swap3A_68, %swap3A_69, %swap3A_70, %swap3A_71] : memref<1x16x65x65xf32, #tpu.memory_space<vmem>>, vector<1x16x64x1xf32>
    %swap3A_73 = vector.shape_cast %swap3A_72 : vector<1x16x64x1xf32> to vector<16x64x1xf32>
    %swap3A_74 = vector.shape_cast %add3A_67 : vector<16x64x1xf32> to vector<1x16x64x1xf32>
    tpu.vector_store %arg5[%swap3A_68, %swap3A_69, %swap3A_70, %swap3A_71], %swap3A_74 {strides = array<i32>} : memref<1x16x65x65xf32, #tpu.memory_space<vmem>>, vector<1x16x64x1xf32>,
    return
  }
  func.func @transform_0(%arg0: i32) -> (i32, i32, i32) {
    %c0_i32 = arith.constant 0 : i32
    %c0_i32_0 = arith.constant 0 : i32
    %c0_i32_1 = arith.constant 0 : i32
    return %arg0, %c0_i32, %c0_i32_0 : i32, i32, i32
  }
  func.func @transform_1(%arg0: i32) -> (i32, i32, i32) {
    %c0_i32 = arith.constant 0 : i32
    %c0_i32_0 = arith.constant 0 : i32
    %c0_i32_1 = arith.constant 0 : i32
    return %arg0, %c0_i32, %c0_i32_0 : i32, i32, i32
  }
  func.func @transform_2(%arg0: i32) -> (i32, i32, i32) {
    %c0_i32 = arith.constant 0 : i32
    %c0_i32_0 = arith.constant 0 : i32
    %c0_i32_1 = arith.constant 0 : i32
    return %arg0, %c0_i32, %c0_i32_0 : i32, i32, i32
  }
  func.func @transform_3(%arg0: i32) -> (i32, i32) {
    %c0_i32 = arith.constant 0 : i32
    %c0_i32_0 = arith.constant 0 : i32
    %c0_i32_1 = arith.constant 0 : i32
    return %c0_i32, %c0_i32_0 : i32, i32
  }
  func.func @transform_4(%arg0: i32) -> (i32, i32, i32, i32) {
    %c0_i32 = arith.constant 0 : i32
    %c0_i32_0 = arith.constant 0 : i32
    %c0_i32_1 = arith.constant 0 : i32
    %c0_i32_2 = arith.constant 0 : i32
    return %arg0, %c0_i32, %c0_i32_0, %c0_i32_1 : i32, i32, i32, i32
  }
}

</mosaic_0001>

<sc_bundles>
// kernel: kernel.5.cloned.1.call-start
scs
__scs_entry_jumppad:
0x0: {  	(pc) =	sbr.rel $0x88, $3  }
0x1: {  	(tag) =	ssettag $0x0;
	lr =	simm.s32 $0x1  }
0x2: {  	[smem:$0x3F9A] =	sst lr;
	_ =	strace $0xD0000000  }
0x3: {  	_ = 	snop  }
0x4: {  	_ = 	snop  }
0x5: {  	_ = 	snop  }
0x6: {  	_ = 	snop  }
0x7: {  	_ = 	snop  }
__scs_overlays_trampoline_lowered:
0x8: {  	[smem:$0x3FA9] =	sst s0  }
0x9: {  	[smem:$0x3FAA] =	sst s1  }
0xa: {  	[smem:$0x3FAB] =	sst s2  }
0xb: {  	[smem:$0x3FAC] =	sst s3  }
0xc: {  	[smem:$0x3FAD] =	sst s4  }
0xd: {  	[smem:$0x3FAE] =	sst s5  }
0xe: {  	[smem:$0x3FAF] =	sst s6  }
0xf: {  	[smem:$0x3FB0] =	sst s7  }
0x10: {  	[smem:$0x3FB1] =	sst s8  }
0x11: {  	[smem:$0x3FB2] =	sst s9;
	s0 =	simm.s32 @!p0 $0x0  }
0x12: {  	s1 =	sld [smem:$0x3F98];
	s0 =	simm.s32 @p0 $0x1  }
0x13: {  	[smem:$0x3FB3] =	sst s0;
	s0 =	simm.s32 @!p1 $0x0  }
0x14: {  	s2 =	sld [smem:$0x3F97];
	s0 =	simm.s32 @p1 $0x1  }
0x15: {  	[smem:$0x3FB4] =	sst s0;
	s0 =	simm.s32 @!p2 $0x0  }
0x16: {  	s3 =	sld [smem:$0x3FDB];
	s0 =	simm.s32 @p2 $0x1  }
0x17: {  	s4 =	simm.s32 $0x1BF5;
	[smem:$0x3FB6] =	sst s0  }
0x18: {  	s0 =	sld [smem:$0x3F99];
	_ =	swait.ge [sflag:s4], $0x0  }
0x19: {  	s7 =	sld [smem:$0x3F9A]  }
0x1a: {  	s8 =	sadd.s32 $0xFFFFE003, lr  }
0x1b: {  	s9 =	sadd.s32 $0xFFFFFEF7, lr;
	s5 =	simm.s32 $0xFFFFFFFF;
	p2 =	slt.u32 s8, $0xFFFFF086  }
0x1c: {  	p1 =	slt.u32 s9, $0xF7A;
	s5 =	simm.s32 @!p2 $0x0  }
0x1d: {  	s5 =	simm.s32 @p1 $0x1;
	p0 =	seq.s32 s7, s2  }
0x1e: {  	s7 =	smul.u32 @!p0 $0xF7A, s2;
	p2 =	seq.s32 @!p0 s5, $0x0  }
0x1f: {  	s9 =	smul.u32 $0xF7A, s1;
	s8 =	simm.s32 @!p0 $0x1BF5;
	p2 =	por !p2, p0  }
0x20: {  	[sflag:s8] =	ssyncset.s32 @!p0 $0xFFFFF086;
	s6 =	sadd.s32 @!p0 s3, s7;
	s7 =	simm.s32 @!p0 $0x108  }
0x21: {  	s3 =	sadd.s32 s3, s9;
	s6 =	sadd.s32 @!p0 $0x88, s6;
	s7 =	simm.s32 @p2 $0x1082  }
0x22: {  	[simem:s7], [sflag:s8] =	dma.local @!p0 [hbm:s6], $0xF7A  }
0x23: {  	s9 =	sor.u32 $0xD0000000, s2;
	s6 =	simm.s32 $0x108;
	_ =	swait.ge @!p0 [sflag:s8], $0x0  }
0x24: {  	s3 =	sadd.s32 $0x88, s3;
	s6 =	simm.s32 @!p1 $0x1082;
	[sflag:s4] =	ssyncset.s32 $0xFFFFF086  }
0x25: {  	[simem:s6], [sflag:s4] =	dma.local [hbm:s3], $0xF7A  }
0x26: {  	[smem:$0x3F9A] =	sst s1;
	(tag) =	ssettag s2;
	_ =	strace s9  }
0x27: {  	s1 =	sld [smem:$0x3FAA]  }
0x28: {  	s2 =	sld [smem:$0x3FAB]  }
0x29: {  	s4 =	sld [smem:$0x3FAD]  }
0x2a: {  	p0 =	seq.s32 s5, $0x0;
	s5 =	sld [smem:$0x3FAE]  }
0x2b: {  	s6 =	sld [smem:$0x3FAF]  }
0x2c: {  	s7 =	sld [smem:$0x3FB0]  }
0x2d: {  	s3 =	simm.s32 $0x108;
	s8 =	sld [smem:$0x3FB1]  }
0x2e: {  	s3 =	simm.s32 @!p0 $0x1082;
	s9 =	sld [smem:$0x3FB2]  }
0x2f: {  	lr =	sadd.s32 s0, s3;
	s0 =	sld [smem:$0x3FA9]  }
0x30: {  	s3 =	sld [smem:$0x3FAC]  }
0x31: {  	[smem:$0x3FB5] =	sst s10  }
0x32: {  	s10 =	sld [smem:$0x3FB3];
	_ =	sdelay $0x3  }
0x33: {  	p0 =	seq.s32 s10, $0x1;
	s10 =	sld [smem:$0x3FB5];
	_ =	sdelay $0x3  }
0x34: {  	[smem:$0x3FB5] =	sst s10  }
0x35: {  	s10 =	sld [smem:$0x3FB4];
	_ =	sdelay $0x3  }
0x36: {  	p1 =	seq.s32 s10, $0x1;
	s10 =	sld [smem:$0x3FB5];
	_ =	sdelay $0x3  }
0x37: {  	[smem:$0x3FB5] =	sst s10  }
0x38: {  	s10 =	sld [smem:$0x3FB6]  }
0x39: {  	_ = 	snop;
	(pc) =	sbr.ind lr, $3  }
0x3a: {  	_ = 	snop  }
0x3b: {  	_ = 	snop  }
0x3c: {  	p2 =	seq.s32 s10, $0x1;
	s10 =	sld [smem:$0x3FB5]  }
0x3d: {  	_ =	shalt  }
0x3e: {  	_ =	shalt  }
0x3f: {  	_ =	shalt  }
0x40: {  	_ =	shalt  }
0x41: {  	_ =	shalt  }
0x42: {  	_ =	shalt  }
0x43: {  	_ =	shalt  }
0x44: {  	_ =	shalt  }
0x45: {  	_ =	shalt  }
0x46: {  	_ =	shalt  }
0x47: {  	_ =	shalt  }
0x48: {  	_ =	shalt  }
0x49: {  	_ =	shalt  }
0x4a: {  	_ =	shalt  }
0x4b: {  	_ =	shalt  }
0x4c: {  	_ =	shalt  }
0x4d: {  	_ =	shalt  }
0x4e: {  	_ =	shalt  }
0x4f: {  	_ =	shalt  }
0x50: {  	_ =	shalt  }
0x51: {  	_ =	shalt  }
0x52: {  	_ =	shalt  }
0x53: {  	_ =	shalt  }
0x54: {  	_ =	shalt  }
0x55: {  	_ =	shalt  }
0x56: {  	_ =	shalt  }
0x57: {  	_ =	shalt  }
0x58: {  	_ =	shalt  }
0x59: {  	_ =	shalt  }
0x5a: {  	_ =	shalt  }
0x5b: {  	_ =	shalt  }
0x5c: {  	_ =	shalt  }
0x5d: {  	_ =	shalt  }
0x5e: {  	_ =	shalt  }
0x5f: {  	_ =	shalt  }
0x60: {  	_ =	shalt  }
0x61: {  	_ =	shalt  }
0x62: {  	_ =	shalt  }
0x63: {  	_ =	shalt  }
0x64: {  	_ =	shalt  }
0x65: {  	_ =	shalt  }
0x66: {  	_ =	shalt  }
0x67: {  	_ =	shalt  }
0x68: {  	_ =	shalt  }
0x69: {  	_ =	shalt  }
0x6a: {  	_ =	shalt  }
0x6b: {  	_ =	shalt  }
0x6c: {  	_ =	shalt  }
0x6d: {  	_ =	shalt  }
0x6e: {  	_ =	shalt  }
0x6f: {  	_ =	shalt  }
0x70: {  	_ =	shalt  }
0x71: {  	_ =	shalt  }
0x72: {  	_ =	shalt  }
0x73: {  	_ =	shalt  }
0x74: {  	_ =	shalt  }
0x75: {  	_ =	shalt  }
0x76: {  	_ =	shalt  }
0x77: {  	_ =	shalt  }
0x78: {  	_ =	shalt  }
0x79: {  	_ =	shalt  }
0x7a: {  	_ =	shalt  }
0x7b: {  	_ =	shalt  }
0x7c: {  	_ =	shalt  }
0x7d: {  	_ =	shalt  }
0x7e: {  	_ =	shalt  }
0x7f: {  	_ =	shalt  }
0x80: {  	_ =	shalt  }
0x81: {  	_ =	shalt  }
0x82: {  	_ =	shalt  }
0x83: {  	_ =	shalt  }
0x84: {  	_ =	shalt  }
0x85: {  	_ =	shalt  }
0x86: {  	_ =	shalt  }
0x87: {  	_ =	shalt  }
.Lfunc_end0:
.L_simem_size_0:
called_computation_lowered:
.L_overlay_start_0:
0x88: {  	s2 =	sld [smem:$0x3FD9]  }
0x89: {  	s3 =	sld [smem:$0x3FFE];
	_ =	sdelay $0x1  }
0x8a: {  	s1 =	srdreg.scid  }
0x8b: {  	s0 =	sand.u32 $0x1, s1  }
0x8c: {  	s17 =	sshll.u32 s0, $0xA;
	s2 =	sadd.s32 s3, s2  }
0x8d: {  	s2 =	sadd.s32 s2, s17  }
0x8e: {  	[smem:$0x3FC1] =	sst s2  }
0x8f: {  	_ = 	snop  }
0x90: {  	s2 =	sld [smem:$0x3FD0];
	(tm) =	ssettm $0x1  }
0x91: {  	s18 =	sld [smem:$0x3FFB];
	_ =	sdelay $0x3  }
0x92: {  	_ =	strace s18  }
0x93: {  	s3 =	sld [smem:$0x3FFC];
	_ =	sdelay $0x3  }
0x94: {  	_ =	strace s3  }
0x95: {  	s3 =	sld [smem:$0x3FFD];
	_ =	sdelay $0x3  }
0x96: {  	_ =	strace s3  }
0x97: {  	_ =	strace $0x8FFFFFFF  }
0x98: {  	s19 =	sld [smem:$0x3FDB];
	_ =	sdelay $0x1  }
0x99: {  	s4 =	simm.s32 $_scs_section_size  }
0x9a: {  	s5 =	simm.s32 $_size__tile_overlayer_lowered;
	s6 =	simm.s32 $_tile_overlayer_lowered  }
0x9b: {  	s22 =	simm.s32 $0x1BFF;
	s21 =	sshll.u32 s6, $0x1;
	s3 =	sadd.s32 s4, s19  }
0x9c: {  	s7 =	simm.s32 $0x0;
	s20 =	sshll.u32 s5, $0x1;
	s5 =	sadd.s32 s21, s3  }
0x9d: {  	[timem:s7], [sflag:s22] =	dma.local [hbm:s5], s20  }
0x9e: {  	_ =	swait.ge [sflag:s22], s20  }
0x9f: {  	s4 =	ssub.s32 $0x0, s20;
	[sflag:s22] =	ssyncset.done $0x0  }
0xa0: {  	[sflag:s22] =	ssyncadd.s32 s4;
	_ =	sdelay $0x1  }
0xa1: {  	s23 =	simm.s32 $0x1B8B  }
0xa2: {  	_ =	swait.ge [sflag:s23], $0x1  }
0xa3: {  	[sflag:s23] =	ssyncset.done $0x0  }
0xa4: {  	s25 =	simm.s32 $0x1B8E;
	s24 =	sld [smem:$0x3FFE];
	[sflag:s23] =	ssyncadd.s32 $0xFFFFFFFF  }
0xa5: {  	s26 =	simm.s32 $execute0_lowered;
	[smem:$0x3FD2] =	sst s25  }
0xa6: {  	s5 =	sshll.u32 s26, $0x1;
	_ =	strace $0x80000046;
	[dreg:$0x1] =	wrdreg $0xFFFFFFFF  }
0xa7: {  	s28 =	simm.s32 $_size_execute0_lowered;
	s3 =	sadd.s32 s3, s5;
	[dreg:$0x0] =	wrdreg $0x0  }
0xa8: {  	s5 =	sshll.u32 s28, $0x1;
	[dreg:$0x2] =	wrdreg s3  }
0xa9: {  	[dreg:$0x3] =	wrdreg s5  }
0xaa: {  	[dreg:$0x4] =	wrdreg $0xC0  }
0xab: {  	_ =	task [dreg:s7], $0x5FFFF  }
0xac: {  	[dreg:$0x1] =	wrdreg $0xFFFFFFFF  }
0xad: {  	[dreg:$0x0] =	wrdreg $0x60  }
0xae: {  	[dreg:$0x2] =	wrdreg s24  }
0xaf: {  	[dreg:$0x3] =	wrdreg s2  }
0xb0: {  	[dreg:$0x4] =	wrdreg $0x9  }
0xb1: {  	_ =	task.clear_ibuf [dreg:s7], $0x5FFFF;
	_ =	strace $0x90000046  }
0xb2: {  	s29 =	simm.s32 $0x9;
	_ =	strace $0x80000048  }
0xb3: {  	_ =	swait.ge [sflag:s29], $0x1  }
0xb4: {  	[sflag:s29] =	ssyncadd.s32 $0xFFFFFFFF  }
0xb5: {  	_ =	strace $0x90000048  }
0xb6: {  	_ =	sfence  }
0xb7: {  	s30 =	sld [smem:$0x0];
	_ =	sdelay $0x2  }
0xb8: {  	s31 =	sshll.u32 s1, $0xD;
	s1 =	sshrl.u32 s1, $0x2  }
0xb9: {  	s3 =	sand.u32 $0x4000, s31;
	s1 =	sadd.s32 s1, s30  }
0xba: {  	s0 =	sor.u32 s3, s0;
	s1 =	sshll.u32 s1, $0x11  }
0xbb: {  	s0 =	sor.u32 s1, s0  }
0xbc: {  	s0 =	sadd.s32 $0x8F2B, s0  }
0xbd: {  	[sflag:s0] =	ssyncadd.remote.s32 $0x1  }
0xbe: {  	_ =	sfence.sel $0xFFFF  }
0xbf: {  	[dreg:$0x0] =	wrdreg $0xFFFFFFFF;
	(pc) =	sbr.abs _section_cstart, $3  }
0xc0: {  	[dreg:$0x1] =	wrdreg $0xFFFFFFFF  }
0xc1: {  	_ =	task.clear_ibuf [dreg:s7], $0x2FFFF;
	_ =	strace $0x9FFFFFFF  }
0xc2: {  	(tm) =	ssettm $0x7FFFFFFF  }
0xc3: {  	_ =	shalt  }
tec
execute0_lowered:
.L_overlay_start_1:
0x0: {  	(tag) =	ssettag $0x1  }
0x1: {  	s0 =	rddreg [dreg:$0x0]  }
0x2: {  	s2 =	rddreg [dreg:$0x1]  }
0x3: {  	s3 =	simm.s32 $0x0;
	s1 =	srdreg.scid;
	s4 =	stileid.u32  }
0x4: {  	s16 =	simm.s32 $0x5;
	s18 =	simm.s32 $0x80;
	s30 =	simm.s32 $0x780  }
0x5: {  	s31 =	simm.s32 $0xF80;
	s21 =	simm.s32 $0xF000;
	s22 =	simm.s32 $0xE80  }
0x6: {  	s23 =	simm.s32 $0xF800;
	s28 =	simm.s32 $0x2;
	s29 =	simm.s32 $0x11800  }
0x7: {  	s17 =	simm.s32 $0x0;
	[smem:$0x7FF] =	sst s3;
	s1 =	sand.u32 $0x1, s1  }
0x8: {  	s5 =	sshll.u32 s4, $0x1;
	s4 =	sadd.s32 $0x2200, s0;
	s7 =	sadd.s32 $0x20800, s0  }
0x9: {  	s8 =	sadd.s32 $0x5C800, s0;
	_ =	strace $0x80000047;
	s9 =	sor.u32 s1, s5  }
0xa: {  	s5 =	sadd.s32 $0x20400, s0;
	s1 =	ssub.s32 $0x2, s1;
	s0 =	sadd.s32 $0x60800, s0  }
0xb: {  	s6 =	smul.u32 $0xF000, s9;
	s10 =	sshrl.u32 s1, $0x1;
	[dreg:$0x3] =	wrdreg s0  }
0xc: {  	s11 =	sshll.u32 s9, $0xC;
	s26 =	sshll.u32 s9, $0x9;
	s24 =	ssub.s32 s1, s10  }
0xd: {  	s13 =	sshll.u32 s9, $0x10;
	s25 =	sshrl.u32 s6, $0x3;
	s0 =	smax.u32 s24, $0x1  }
0xe: {  	s9 =	simm.s32 $0x0;
	s1 =	sadd.s32 s7, s25;
	[dreg:$0x6] =	wrdreg s0  }
0xf: {  	s24 =	simm.s32 $0x10800;
	[dreg:$0x4] =	wrdreg s1;
	s1 =	sadd.s32 s8, s26  }
0x10: {  	s25 =	simm.s32 $0x1;
	s26 =	simm.s32 $0x11000;
	[dreg:$0x5] =	wrdreg s1  }
.LBB2_1:
0x11: {  	[dreg:$0x7] =	wrdreg s9  }
0x12: {  	s0 =	rddreg [dreg:$0x3];
	s1 =	simm.s32 $0x12000  }
0x13: {  	[tilespmem:s1], [sflag:$0x5] =	stream.linear.gather [hbm4b:s0+s3], $0x100, $0x38;
	[tilespmem:$0x12100] =	vst v63  }
0x14: {  	_ =	swait.ge [sflag:s16], $0x100  }
0x15: {  	[sflag:s16] =	ssyncset.done $0x0  }
0x16: {  	s10 =	rddreg [dreg:$0x4];
	[sflag:s16] =	ssyncadd.s32 $0xFFFFFF00  }
0x17: {  	[tilespmem:s3], [sflag:$0x5] =	stream.linear.gather [hbm4b:s10+s3], $0x780, $0x38;
	[tilespmem:$0x12100] =	vst v63  }
0x18: {  	_ =	swait.ge [sflag:s16], $0x780  }
0x19: {  	[sflag:s16] =	ssyncset.done $0x0  }
0x1a: {  	s14 =	simm.s32 $0xF00;
	s12 =	rddreg [dreg:$0x5];
	[sflag:s16] =	ssyncadd.s32 $0xFFFFF880  }
0x1b: {  	[tilespmem:s14], [sflag:$0x5] =	stream.linear.gather [hbm4b:s12+s3], $0x80, $0x38;
	[tilespmem:$0x12100] =	vst v63  }
0x1c: {  	s15 =	sand.u32 $0x1E00, s3;
	_ =	swait.ge [sflag:s16], $0x80  }
0x1d: {  	s19 =	sand.u32 $0x70, s3;
	s0 =	sshrl.u32 s15, $0x2;
	[sflag:s16] =	ssyncset.done $0x0  }
0x1e: {  	s0 =	sor.u32 s19, s0;
	[sflag:s16] =	ssyncadd.s32 $0xFFFFFF80  }
0x1f: {  	v1 =	vld [tilespmem:s0+$0x0];
	_ =	sdelay $0x1  }
0x20: {  	v0 =	vld [tilespmem:s3+$0x12000];
	_ =	sdelay $0x2  }
0x21: {  	s20 =	simm.s32 $0x40;
	s9 =	simm.s32 $0x10;
	v1 =	vmul.u32 $0x5, v1  }
0x22: {  	s1 =	simm.s32 $0x0;
	s10 =	simm.s32 $0x80;
	s12 =	sand.u32 $0x1E00, s20  }
.LBB2_2:
0x23: {  	p0 =	sne.s32 s10, $0x1DC0;
	s14 =	sand.u32 $0x70, s9;
	s12 =	sshrl.u32 s12, $0x2;
	v0 =	vadd.s32 v0, v1  }
0x24: {  	[tilespmem:s0+$0x0] =	vst v0;
	s0 =	sor.u32 s14, s12;
	s12 =	sadd.s32 $0x10, s1  }
0x25: {  	s14 =	sadd.s32 $0xFFFFFF20, s1;
	v1 =	vld [tilespmem:s0+$0x0];
	p1 =	sgt.s32 s12, $0xEF;
	s1 =	smov.u32 s12  }
0x26: {  	s1 =	smov.u32 @p1 s14  }
.Ltmp0:
0x27: {  	v0 =	vld [tilespmem:s1+$0x12000];
	(pc) =	sbr.rel @p0 .LBB2_2-.Ltmp0, $3  }
0x28: {  	_ =	sdelay $0x1  }
0x29: {  	v1 =	vmul.u32 $0x5, v1  }
0x2a: {  	s9 =	sadd.s32 $0x10, s9;
	s12 =	sand.u32 $0x1E00, s10;
	s10 =	sadd.s32 $0x40, s10  }
0x2b: {  	s9 =	sand.u32 $0x70, s9;
	s10 =	sshrl.u32 s12, $0x2;
	v0 =	vadd.s32 v0, v1  }
0x2c: {  	s9 =	sor.u32 s9, s10;
	[tilespmem:s0+$0x0] =	vst v0;
	s0 =	sadd.s32 $0x10, s1  }
0x2d: {  	s1 =	sadd.s32 $0xFFFFFF20, s1;
	v0 =	vld [tilespmem:s9+$0x0];
	p0 =	sgt.s32 s0, $0xEF  }
0x2e: {  	s0 =	smov.u32 @p0 s1  }
0x2f: {  	v63 =	vld [tilespmem:s0+$0x12000];
	_ =	sdelay $0x2  }
0x30: {  	v0 =	vmul.u32 $0x5, v0;
	_ =	sdelay $0x1  }
0x31: {  	v0 =	vadd.s32 v63, v0  }
0x32: {  	s10 =	simm.s32 $0x1000;
	[tilespmem:s9+$0x0] =	vst v0  }
0x33: {  	[tilespmem:s10], [sflag:$0x1] =	stream.indirect.gather [hbm4b:s4+s18], $0x10, s17, s18, $0xb8;
	[tilespmem:$0x12100] =	vst v63  }
0x34: {  	s12 =	simm.s32 $0x1800  }
0x35: {  	[tilespmem:s12], [sflag:$0x1] =	stream.indirect.gather [hbm4b:s4+s18], $0x10, s18, s18, $0xb8;
	[tilespmem:$0x12100] =	vst v63  }
0x36: {  	s14 =	simm.s32 $0x100;
	s15 =	simm.s32 $0x2000  }
0x37: {  	[tilespmem:s15], [sflag:$0x1] =	stream.indirect.gather [hbm4b:s4+s18], $0x10, s14, s18, $0xb8;
	[tilespmem:$0x12100] =	vst v63  }
0x38: {  	s19 =	simm.s32 $0x180;
	s20 =	simm.s32 $0x2800  }
0x39: {  	[tilespmem:s20], [sflag:$0x1] =	stream.indirect.gather [hbm4b:s4+s18], $0x10, s19, s18, $0xb8;
	[tilespmem:$0x12100] =	vst v63  }
0x3a: {  	s1 =	simm.s32 $0x200;
	s9 =	simm.s32 $0x3000  }
0x3b: {  	[tilespmem:s9], [sflag:$0x1] =	stream.indirect.gather [hbm4b:s4+s18], $0x10, s1, s18, $0xb8;
	[tilespmem:$0x12100] =	vst v63  }
0x3c: {  	s10 =	simm.s32 $0x280;
	s12 =	simm.s32 $0x3800  }
0x3d: {  	[tilespmem:s12], [sflag:$0x1] =	stream.indirect.gather [hbm4b:s4+s18], $0x10, s10, s18, $0xb8;
	[tilespmem:$0x12100] =	vst v63  }
0x3e: {  	s14 =	simm.s32 $0x300;
	s15 =	simm.s32 $0x4000  }
0x3f: {  	[tilespmem:s15], [sflag:$0x1] =	stream.indirect.gather [hbm4b:s4+s18], $0x10, s14, s18, $0xb8;
	[tilespmem:$0x12100] =	vst v63  }
0x40: {  	s19 =	simm.s32 $0x380;
	s20 =	simm.s32 $0x4800  }
0x41: {  	[tilespmem:s20], [sflag:$0x1] =	stream.indirect.gather [hbm4b:s4+s18], $0x10, s19, s18, $0xb8;
	[tilespmem:$0x12100] =	vst v63  }
0x42: {  	s1 =	simm.s32 $0x400;
	s9 =	simm.s32 $0x5000  }
0x43: {  	[tilespmem:s9], [sflag:$0x1] =	stream.indirect.gather [hbm4b:s4+s18], $0x10, s1, s18, $0xb8;
	[tilespmem:$0x12100] =	vst v63  }
0x44: {  	s10 =	simm.s32 $0x480;
	s12 =	simm.s32 $0x5800  }
0x45: {  	[tilespmem:s12], [sflag:$0x1] =	stream.indirect.gather [hbm4b:s4+s18], $0x10, s10, s18, $0xb8;
	[tilespmem:$0x12100] =	vst v63  }
0x46: {  	s14 =	simm.s32 $0x500;
	s15 =	simm.s32 $0x6000  }
0x47: {  	[tilespmem:s15], [sflag:$0x1] =	stream.indirect.gather [hbm4b:s4+s18], $0x10, s14, s18, $0xb8;
	[tilespmem:$0x12100] =	vst v63  }
0x48: {  	s19 =	simm.s32 $0x580;
	s20 =	simm.s32 $0x6800  }
0x49: {  	[tilespmem:s20], [sflag:$0x1] =	stream.indirect.gather [hbm4b:s4+s18], $0x10, s19, s18, $0xb8;
	[tilespmem:$0x12100] =	vst v63  }
0x4a: {  	s1 =	simm.s32 $0x600;
	s9 =	simm.s32 $0x7000  }
0x4b: {  	[tilespmem:s9], [sflag:$0x1] =	stream.indirect.gather [hbm4b:s4+s18], $0x10, s1, s18, $0xb8;
	[tilespmem:$0x12100] =	vst v63  }
0x4c: {  	s10 =	simm.s32 $0x680;
	s12 =	simm.s32 $0x7800  }
0x4d: {  	[tilespmem:s12], [sflag:$0x1] =	stream.indirect.gather [hbm4b:s4+s18], $0x10, s10, s18, $0xb8;
	[tilespmem:$0x12100] =	vst v63  }
0x4e: {  	s14 =	simm.s32 $0x700;
	s15 =	simm.s32 $0x8000  }
0x4f: {  	[tilespmem:s15], [sflag:$0x1] =	stream.indirect.gather [hbm4b:s4+s18], $0x10, s14, s18, $0xb8;
	[tilespmem:$0x12100] =	vst v63  }
0x50: {  	s0 =	simm.s32 $0x0;
	s19 =	simm.s32 $0xF00;
	s20 =	simm.s32 $0x10000  }
0x51: {  	[tilespmem:s20], [sflag:$0x1] =	stream.indirect.gather [hbm4b:s5+s18], $0x10, s19, s18, $0xb8;
	[tilespmem:$0x12100] =	vst v63  }
.LBB2_4:
0x52: {  	s1 =	sshllo.u32 s0, $0x1  }
0x53: {  	s9 =	smul.u32 $0x780, s1;
	_ =	sdelay $0x1  }
0x54: {  	s9 =	sadd.s32 s6, s9  }
0x55: {  	s9 =	sshrl.u32 s9, $0x3  }
0x56: {  	s15 =	sshll.u32 s1, $0x7;
	s9 =	sadd.s32 s7, s9  }
0x57: {  	[tilespmem:s30], [sflag:$0x5] =	stream.linear.gather [hbm4b:s9+s17], $0x780, $0x38;
	[tilespmem:$0x12100] =	vst v63  }
0x58: {  	s9 =	sadd.s32 s11, s15;
	_ =	swait.ge [sflag:s16], $0x780  }
0x59: {  	s9 =	sshrl.u32 s9, $0x3;
	[sflag:s16] =	ssyncset.done $0x0  }
0x5a: {  	s9 =	sadd.s32 s8, s9;
	[sflag:s16] =	ssyncadd.s32 $0xFFFFF880  }
0x5b: {  	[tilespmem:s31], [sflag:$0x5] =	stream.linear.gather [hbm4b:s9+s17], $0x80, $0x38;
	[tilespmem:$0x12100] =	vst v63  }
0x5c: {  	s19 =	sand.u32 $0x1E00, s17;
	_ =	swait.ge [sflag:s16], $0x80  }
0x5d: {  	s10 =	sand.u32 $0x70, s17;
	s9 =	sshrl.u32 s19, $0x2;
	[sflag:s16] =	ssyncset.done $0x0  }
0x5e: {  	s9 =	sor.u32 s10, s9;
	[sflag:s16] =	ssyncadd.s32 $0xFFFFFF80  }
0x5f: {  	v1 =	vld [tilespmem:s9+$0x780];
	_ =	sdelay $0x1  }
0x60: {  	v0 =	vld [tilespmem:s17+$0x12000];
	_ =	sdelay $0x2  }
0x61: {  	s20 =	simm.s32 $0x40;
	s14 =	simm.s32 $0x80;
	s12 =	simm.s32 $0x10;
	v1 =	vmul.u32 $0x5, v1  }
0x62: {  	s15 =	sshll.u32 s0, $0x1;
	s19 =	sand.u32 $0x1E00, s20;
	s10 =	simm.s32 $0x0  }
.LBB2_5:
0x63: {  	p0 =	sne.s32 s14, $0x1DC0;
	s20 =	sand.u32 $0x70, s12;
	s19 =	sshrl.u32 s19, $0x2;
	v0 =	vadd.s32 v0, v1  }
0x64: {  	[tilespmem:s9+$0x780] =	vst v0;
	s9 =	sor.u32 s20, s19;
	s19 =	sadd.s32 $0x10, s10  }
0x65: {  	s20 =	sadd.s32 $0xFFFFFF20, s10;
	v1 =	vld [tilespmem:s9+$0x780];
	p1 =	sgt.s32 s19, $0xEF;
	s10 =	smov.u32 s19  }
0x66: {  	s10 =	smov.u32 @p1 s20  }
.Ltmp1:
0x67: {  	v0 =	vld [tilespmem:s10+$0x12000];
	(pc) =	sbr.rel @p0 .LBB2_5-.Ltmp1, $3  }
0x68: {  	_ =	sdelay $0x1  }
0x69: {  	v1 =	vmul.u32 $0x5, v1  }
0x6a: {  	s12 =	sadd.s32 $0x10, s12;
	s19 =	sand.u32 $0x1E00, s14;
	s14 =	sadd.s32 $0x40, s14  }
0x6b: {  	s12 =	sand.u32 $0x70, s12;
	s14 =	sshrl.u32 s19, $0x2;
	v0 =	vadd.s32 v0, v1  }
0x6c: {  	s12 =	sor.u32 s12, s14;
	[tilespmem:s9+$0x780] =	vst v0;
	s9 =	sadd.s32 $0x10, s10  }
0x6d: {  	s10 =	sadd.s32 $0xFFFFFF20, s10;
	v0 =	vld [tilespmem:s12+$0x780];
	p0 =	sgt.s32 s9, $0xEF  }
0x6e: {  	s9 =	smov.u32 @p0 s10  }
0x6f: {  	v1 =	vld [tilespmem:s9+$0x12000];
	_ =	sdelay $0x2  }
0x70: {  	v0 =	vmul.u32 $0x5, v0;
	_ =	sdelay $0x1  }
0x71: {  	v0 =	vadd.s32 v1, v0  }
0x72: {  	s10 =	simm.s32 $0x8800;
	[tilespmem:s12+$0x780] =	vst v0  }
0x73: {  	[tilespmem:s10], [sflag:$0x2] =	stream.indirect.gather [hbm4b:s4+s18], $0x10, s30, s18, $0xb8;
	[tilespmem:$0x12100] =	vst v63  }
0x74: {  	s14 =	simm.s32 $0x9000;
	s12 =	simm.s32 $0x800  }
0x75: {  	[tilespmem:s14], [sflag:$0x2] =	stream.indirect.gather [hbm4b:s4+s18], $0x10, s12, s18, $0xb8;
	[tilespmem:$0x12100] =	vst v63  }
0x76: {  	s19 =	simm.s32 $0x880;
	s20 =	simm.s32 $0x9800  }
0x77: {  	[tilespmem:s20], [sflag:$0x2] =	stream.indirect.gather [hbm4b:s4+s18], $0x10, s19, s18, $0xb8;
	[tilespmem:$0x12100] =	vst v63  }
0x78: {  	s12 =	simm.s32 $0x900;
	s14 =	simm.s32 $0xA000  }
0x79: {  	[tilespmem:s14], [sflag:$0x2] =	stream.indirect.gather [hbm4b:s4+s18], $0x10, s12, s18, $0xb8;
	[tilespmem:$0x12100] =	vst v63  }
0x7a: {  	s19 =	simm.s32 $0x980;
	s20 =	simm.s32 $0xA800  }
0x7b: {  	[tilespmem:s20], [sflag:$0x2] =	stream.indirect.gather [hbm4b:s4+s18], $0x10, s19, s18, $0xb8;
	[tilespmem:$0x12100] =	vst v63  }
0x7c: {  	s12 =	simm.s32 $0xA00;
	s14 =	simm.s32 $0xB000  }
0x7d: {  	[tilespmem:s14], [sflag:$0x2] =	stream.indirect.gather [hbm4b:s4+s18], $0x10, s12, s18, $0xb8;
	[tilespmem:$0x12100] =	vst v63  }
0x7e: {  	s19 =	simm.s32 $0xA80;
	s20 =	simm.s32 $0xB800  }
0x7f: {  	[tilespmem:s20], [sflag:$0x2] =	stream.indirect.gather [hbm4b:s4+s18], $0x10, s19, s18, $0xb8;
	[tilespmem:$0x12100] =	vst v63  }
0x80: {  	s12 =	simm.s32 $0xB00;
	s14 =	simm.s32 $0xC000  }
0x81: {  	[tilespmem:s14], [sflag:$0x2] =	stream.indirect.gather [hbm4b:s4+s18], $0x10, s12, s18, $0xb8;
	[tilespmem:$0x12100] =	vst v63  }
0x82: {  	s19 =	simm.s32 $0xB80;
	s20 =	simm.s32 $0xC800  }
0x83: {  	[tilespmem:s20], [sflag:$0x2] =	stream.indirect.gather [hbm4b:s4+s18], $0x10, s19, s18, $0xb8;
	[tilespmem:$0x12100] =	vst v63  }
0x84: {  	s12 =	simm.s32 $0xC00;
	s14 =	simm.s32 $0xD000  }
0x85: {  	[tilespmem:s14], [sflag:$0x2] =	stream.indirect.gather [hbm4b:s4+s18], $0x10, s12, s18, $0xb8;
	[tilespmem:$0x12100] =	vst v63  }
0x86: {  	s19 =	simm.s32 $0xC80;
	s20 =	simm.s32 $0xD800  }
0x87: {  	[tilespmem:s20], [sflag:$0x2] =	stream.indirect.gather [hbm4b:s4+s18], $0x10, s19, s18, $0xb8;
	[tilespmem:$0x12100] =	vst v63  }
0x88: {  	s10 =	simm.s32 $0xD00;
	s12 =	simm.s32 $0xE000  }
0x89: {  	[tilespmem:s12], [sflag:$0x2] =	stream.indirect.gather [hbm4b:s4+s18], $0x10, s10, s18, $0xb8;
	[tilespmem:$0x12100] =	vst v63  }
0x8a: {  	s14 =	simm.s32 $0xD80;
	s19 =	simm.s32 $0xE800  }
0x8b: {  	[tilespmem:s19], [sflag:$0x2] =	stream.indirect.gather [hbm4b:s4+s18], $0x10, s14, s18, $0xb8;
	[tilespmem:$0x12100] =	vst v63  }
0x8c: {  	s20 =	simm.s32 $0xE00  }
0x8d: {  	[tilespmem:s21], [sflag:$0x2] =	stream.indirect.gather [hbm4b:s4+s18], $0x10, s20, s18, $0xb8;
	[tilespmem:$0x12100] =	vst v63  }
0x8e: {  	_ = 	snop  }
0x8f: {  	[tilespmem:s23], [sflag:$0x2] =	stream.indirect.gather [hbm4b:s4+s18], $0x10, s22, s18, $0xb8;
	[tilespmem:$0x12100] =	vst v63  }
0x90: {  	_ = 	snop  }
0x91: {  	[tilespmem:s24], [sflag:$0x2] =	stream.indirect.gather [hbm4b:s5+s18], $0x10, s31, s18, $0xb8;
	[tilespmem:$0x12100] =	vst v63  }
0x92: {  	_ =	swait.ge [sflag:s25], $0x7800  }
0x93: {  	[sflag:s25] =	ssyncset.done $0x0  }
0x94: {  	[sflag:s25] =	ssyncadd.s32 $0xFFFF8800  }
0x95: {  	_ =	swait.ge [sflag:s25], $0x800  }
0x96: {  	p0 =	seq.s32 s0, $0x0;
	[sflag:s25] =	ssyncset.done $0x0  }
0x97: {  	s9 =	simm.s32 @!p0 $0x3;
	[sflag:s25] =	ssyncadd.s32 $0xFFFFF800  }
0x98: {  	_ =	swait.ge @!p0 [sflag:s9], $0x800  }
0x99: {  	[sflag:s9] =	ssyncset.done @!p0 $0x0  }
0x9a: {  	[sflag:s9] =	ssyncadd.s32 @!p0 $0xFFFFF800;
	s9 =	simm.s32 $0x0  }
0x9b: {  	s10 =	simm.s32 $0x10F0;
	s12 =	simm.s32 $0x80;
	v0 =	vld [tilespmem:s9+$0x10000]  }
.LBB2_7:
0x9c: {  	p1 =	sne.s32 s12, $0x1F80;
	v1 =	vld [tilespmem:s10+$0xFFFFFF10]  }
0x9d: {  	v2 =	vld [tilespmem:s10+$0xFFFFFF20]  }
0x9e: {  	v3 =	vld [tilespmem:s10+$0xFFFFFF30]  }
0x9f: {  	v4 =	vld [tilespmem:s10+$0xFFFFFF40]  }
0xa0: {  	v5 =	vld [tilespmem:s10+$0xFFFFFF50]  }
0xa1: {  	v0 =	vadd.f32 v1, v0;
	v1 =	vld [tilespmem:s10+$0xFFFFFF60]  }
0xa2: {  	v6 =	vld [tilespmem:s10+$0xFFFFFF70]  }
0xa3: {  	v0 =	vadd.f32 v2, v0;
	v2 =	vld [tilespmem:s10+$0xFFFFFF80]  }
0xa4: {  	v7 =	vld [tilespmem:s10+$0xFFFFFF90]  }
0xa5: {  	v0 =	vadd.f32 v3, v0;
	v3 =	vld [tilespmem:s10+$0xFFFFFFA0]  }
0xa6: {  	v8 =	vld [tilespmem:s10+$0xFFFFFFB0]  }
0xa7: {  	v0 =	vadd.f32 v4, v0;
	v4 =	vld [tilespmem:s10+$0xFFFFFFC0]  }
0xa8: {  	v9 =	vld [tilespmem:s10+$0xFFFFFFD0]  }
0xa9: {  	v0 =	vadd.f32 v5, v0;
	v5 =	vld [tilespmem:s10+$0xFFFFFFE0]  }
0xaa: {  	v10 =	vld [tilespmem:s10+$0xFFFFFFF0]  }
0xab: {  	v0 =	vadd.f32 v1, v0;
	_ =	sdelay $0x1  }
0xac: {  	v0 =	vadd.f32 v6, v0;
	_ =	sdelay $0x1  }
0xad: {  	v0 =	vadd.f32 v2, v0;
	_ =	sdelay $0x1  }
0xae: {  	v0 =	vadd.f32 v7, v0;
	_ =	sdelay $0x1  }
0xaf: {  	v0 =	vadd.f32 v3, v0;
	_ =	sdelay $0x1  }
0xb0: {  	v0 =	vadd.f32 v8, v0;
	_ =	sdelay $0x1  }
0xb1: {  	v0 =	vadd.f32 v4, v0;
	_ =	sdelay $0x1  }
0xb2: {  	v0 =	vadd.f32 v9, v0;
	_ =	sdelay $0x1  }
0xb3: {  	v0 =	vadd.f32 v5, v0;
	_ =	sdelay $0x1  }
0xb4: {  	v0 =	vadd.f32 v10, v0;
	_ =	sdelay $0x1  }
0xb5: {  	[tilespmem:s9+$0x11000] =	vst v0;
	v0 =	vld [tilespmem:s9+$0x10010]  }
0xb6: {  	v1 =	vld [tilespmem:s10+$0x0]  }
0xb7: {  	v2 =	vld [tilespmem:s10+$0x10]  }
0xb8: {  	v3 =	vld [tilespmem:s10+$0x20]  }
0xb9: {  	v4 =	vld [tilespmem:s10+$0x30]  }
0xba: {  	v5 =	vld [tilespmem:s10+$0x40]  }
0xbb: {  	v0 =	vadd.f32 v1, v0;
	v1 =	vld [tilespmem:s10+$0x50]  }
0xbc: {  	v6 =	vld [tilespmem:s10+$0x60]  }
0xbd: {  	v0 =	vadd.f32 v2, v0;
	v2 =	vld [tilespmem:s10+$0x70]  }
0xbe: {  	v7 =	vld [tilespmem:s10+$0x80]  }
0xbf: {  	v0 =	vadd.f32 v3, v0;
	v3 =	vld [tilespmem:s10+$0x90]  }
0xc0: {  	v8 =	vld [tilespmem:s10+$0xA0]  }
0xc1: {  	v0 =	vadd.f32 v4, v0;
	v4 =	vld [tilespmem:s10+$0xB0]  }
0xc2: {  	v9 =	vld [tilespmem:s10+$0xC0]  }
0xc3: {  	v0 =	vadd.f32 v5, v0;
	v5 =	vld [tilespmem:s10+$0xD0]  }
0xc4: {  	v10 =	vld [tilespmem:s10+$0xE0]  }
0xc5: {  	v0 =	vadd.f32 v1, v0;
	_ =	sdelay $0x1  }
0xc6: {  	v0 =	vadd.f32 v6, v0;
	_ =	sdelay $0x1  }
0xc7: {  	v0 =	vadd.f32 v2, v0;
	_ =	sdelay $0x1  }
0xc8: {  	v0 =	vadd.f32 v7, v0;
	_ =	sdelay $0x1  }
0xc9: {  	v0 =	vadd.f32 v3, v0;
	_ =	sdelay $0x1  }
0xca: {  	v0 =	vadd.f32 v8, v0;
	_ =	sdelay $0x1  }
0xcb: {  	v0 =	vadd.f32 v4, v0;
	_ =	sdelay $0x1  }
0xcc: {  	v0 =	vadd.f32 v9, v0;
	_ =	sdelay $0x1  }
.Ltmp2:
0xcd: {  	v0 =	vadd.f32 v5, v0;
	(pc) =	sbr.rel @p1 .LBB2_7-.Ltmp2, $4  }
0xce: {  	_ = 	snop  }
0xcf: {  	v1 =	vadd.f32 v10, v0  }
0xd0: {  	s14 =	sshra.s32 s12, $0x2  }
0xd1: {  	s12 =	sadd.s32 $0x80, s12;
	s10 =	sadd.s32 $0x1E0, s10;
	v0 =	vld [tilespmem:s14+$0x10000];
	[tilespmem:s9+$0x11010] =	vst v1;
	s9 =	smov.u32 s14  }
0xd2: {  	v1 =	vld [tilespmem:s10+$0xFFFFFF10];
	_ =	sdelay $0x1  }
0xd3: {  	v2 =	vld [tilespmem:s10+$0xFFFFFF20];
	_ =	sdelay $0x1  }
0xd4: {  	v3 =	vld [tilespmem:s10+$0xFFFFFF30]  }
0xd5: {  	v0 =	vadd.f32 v1, v0  }
0xd6: {  	v36 =	vld [tilespmem:s10+$0xFFFFFF40]  }
0xd7: {  	v0 =	vadd.f32 v2, v0  }
0xd8: {  	v37 =	vld [tilespmem:s10+$0xFFFFFF50]  }
0xd9: {  	v0 =	vadd.f32 v3, v0  }
0xda: {  	v38 =	vld [tilespmem:s10+$0xFFFFFF60]  }
0xdb: {  	v0 =	vadd.f32 v36, v0  }
0xdc: {  	v39 =	vld [tilespmem:s10+$0xFFFFFF70]  }
0xdd: {  	v0 =	vadd.f32 v37, v0  }
0xde: {  	v40 =	vld [tilespmem:s10+$0xFFFFFF80]  }
0xdf: {  	v0 =	vadd.f32 v38, v0  }
0xe0: {  	v41 =	vld [tilespmem:s10+$0xFFFFFF90]  }
0xe1: {  	v0 =	vadd.f32 v39, v0  }
0xe2: {  	v42 =	vld [tilespmem:s10+$0xFFFFFFA0]  }
0xe3: {  	v0 =	vadd.f32 v40, v0  }
0xe4: {  	v43 =	vld [tilespmem:s10+$0xFFFFFFB0]  }
0xe5: {  	v0 =	vadd.f32 v41, v0  }
0xe6: {  	v44 =	vld [tilespmem:s10+$0xFFFFFFC0]  }
0xe7: {  	v0 =	vadd.f32 v42, v0  }
0xe8: {  	v45 =	vld [tilespmem:s10+$0xFFFFFFD0]  }
0xe9: {  	v0 =	vadd.f32 v43, v0  }
0xea: {  	v46 =	vld [tilespmem:s10+$0xFFFFFFE0]  }
0xeb: {  	v0 =	vadd.f32 v44, v0  }
0xec: {  	v47 =	vld [tilespmem:s10+$0xFFFFFFF0]  }
0xed: {  	v0 =	vadd.f32 v45, v0;
	_ =	sdelay $0x1  }
0xee: {  	v0 =	vadd.f32 v46, v0;
	_ =	sdelay $0x1  }
0xef: {  	v0 =	vadd.f32 v47, v0;
	_ =	sdelay $0x1  }
0xf0: {  	v48 =	vld [tilespmem:s9+$0x10010];
	[tilespmem:s9+$0x11000] =	vst v0  }
0xf1: {  	v49 =	vld [tilespmem:s10+$0x0];
	_ =	sdelay $0x1  }
0xf2: {  	v50 =	vld [tilespmem:s10+$0x10];
	_ =	sdelay $0x1  }
0xf3: {  	v51 =	vld [tilespmem:s10+$0x20]  }
0xf4: {  	v0 =	vadd.f32 v49, v48  }
0xf5: {  	v52 =	vld [tilespmem:s10+$0x30]  }
0xf6: {  	v0 =	vadd.f32 v50, v0  }
0xf7: {  	v53 =	vld [tilespmem:s10+$0x40]  }
0xf8: {  	v0 =	vadd.f32 v51, v0  }
0xf9: {  	v54 =	vld [tilespmem:s10+$0x50]  }
0xfa: {  	v0 =	vadd.f32 v52, v0  }
0xfb: {  	v55 =	vld [tilespmem:s10+$0x60]  }
0xfc: {  	v0 =	vadd.f32 v53, v0  }
0xfd: {  	v56 =	vld [tilespmem:s10+$0x70]  }
0xfe: {  	v0 =	vadd.f32 v54, v0  }
0xff: {  	v57 =	vld [tilespmem:s10+$0x80]  }
0x100: {  	v0 =	vadd.f32 v55, v0  }
0x101: {  	v58 =	vld [tilespmem:s10+$0x90]  }
0x102: {  	v0 =	vadd.f32 v56, v0  }
0x103: {  	v59 =	vld [tilespmem:s10+$0xA0]  }
0x104: {  	v0 =	vadd.f32 v57, v0  }
0x105: {  	v60 =	vld [tilespmem:s10+$0xB0]  }
0x106: {  	v0 =	vadd.f32 v58, v0  }
0x107: {  	v61 =	vld [tilespmem:s10+$0xC0]  }
0x108: {  	v0 =	vadd.f32 v59, v0  }
0x109: {  	v62 =	vld [tilespmem:s10+$0xD0]  }
0x10a: {  	v0 =	vadd.f32 v60, v0  }
0x10b: {  	v63 =	vld [tilespmem:s10+$0xE0]  }
0x10c: {  	v0 =	vadd.f32 v61, v0;
	_ =	sdelay $0x1  }
0x10d: {  	p1 =	seq.s32 s0, $0xF;
	v0 =	vadd.f32 v62, v0  }
.Ltmp3:
0x10e: {  	s19 =	sshll.u32 s0, $0xC;
	(pc) =	sbr.rel @p1 .LBB2_12-.Ltmp3, $4  }
0x10f: {  	s10 =	sadd.s32 s13, s19;
	v0 =	vadd.f32 v63, v0  }
0x110: {  	s10 =	sshrl.u32 s10, $0x3  }
0x111: {  	s20 =	sadd.s32 s2, s10;
	[tilespmem:s9+$0x11010] =	vst v0  }
0x112: {  	[hbm4b:s20+s3] =	stream.linear.scatter [tilespmem:s26], [sflag:$0x3], $0x800, $0x38;
	[tilespmem:$0x12100] =	vst v63  }
0x113: {  	s10 =	sadd.s32 $0x2, s15  }
0x114: {  	s9 =	smul.u32 $0x780, s10;
	_ =	sdelay $0x1  }
0x115: {  	s9 =	sadd.s32 s6, s9  }
0x116: {  	s9 =	sshrl.u32 s9, $0x3  }
0x117: {  	s10 =	sshll.u32 s10, $0x7;
	s12 =	sadd.s32 s7, s9;
	s9 =	simm.s32 $0x0  }
0x118: {  	[tilespmem:s9], [sflag:$0x5] =	stream.linear.gather [hbm4b:s12+s9], $0x780, $0x38;
	[tilespmem:$0x12100] =	vst v63  }
0x119: {  	s10 =	sadd.s32 s11, s10;
	_ =	swait.ge [sflag:s16], $0x780  }
0x11a: {  	s10 =	sshrl.u32 s10, $0x3;
	[sflag:s16] =	ssyncset.done $0x0  }
0x11b: {  	s14 =	simm.s32 $0xF00;
	s10 =	sadd.s32 s8, s10;
	[sflag:s16] =	ssyncadd.s32 $0xFFFFF880  }
0x11c: {  	[tilespmem:s14], [sflag:$0x5] =	stream.linear.gather [hbm4b:s10+s9], $0x80, $0x38;
	[tilespmem:$0x12100] =	vst v63  }
0x11d: {  	s15 =	sand.u32 $0x1E00, s9;
	_ =	swait.ge [sflag:s16], $0x80  }
0x11e: {  	s19 =	sand.u32 $0x70, s9;
	s10 =	sshrl.u32 s15, $0x2;
	[sflag:s16] =	ssyncset.done $0x0  }
0x11f: {  	s10 =	sor.u32 s19, s10;
	[sflag:s16] =	ssyncadd.s32 $0xFFFFFF80  }
0x120: {  	v1 =	vld [tilespmem:s10+$0x0];
	_ =	sdelay $0x1  }
0x121: {  	v0 =	vld [tilespmem:s9+$0x12000];
	_ =	sdelay $0x2  }
0x122: {  	s20 =	simm.s32 $0x40;
	v1 =	vmul.u32 $0x5, v1  }
0x123: {  	s12 =	simm.s32 $0x10;
	s15 =	sand.u32 $0x1E00, s20;
	s14 =	simm.s32 $0x80  }
.LBB2_10:
0x124: {  	p1 =	sne.s32 s14, $0x1DC0;
	s19 =	sand.u32 $0x70, s12;
	s15 =	sshrl.u32 s15, $0x2;
	v0 =	vadd.s32 v0, v1  }
0x125: {  	[tilespmem:s10+$0x0] =	vst v0;
	s10 =	sor.u32 s19, s15;
	s15 =	sadd.s32 $0x10, s9  }
0x126: {  	s19 =	sadd.s32 $0xFFFFFF20, s9;
	v1 =	vld [tilespmem:s10+$0x0];
	p2 =	sgt.s32 s15, $0xEF;
	s9 =	smov.u32 s15  }
0x127: {  	s9 =	smov.u32 @p2 s19  }
.Ltmp4:
0x128: {  	v0 =	vld [tilespmem:s9+$0x12000];
	(pc) =	sbr.rel @p1 .LBB2_10-.Ltmp4, $3  }
0x129: {  	_ =	sdelay $0x1  }
0x12a: {  	v1 =	vmul.u32 $0x5, v1  }
0x12b: {  	s12 =	sadd.s32 $0x10, s12;
	s15 =	sand.u32 $0x1E00, s14;
	s14 =	sadd.s32 $0x40, s14  }
0x12c: {  	s12 =	sand.u32 $0x70, s12;
	s14 =	sshrl.u32 s15, $0x2;
	v0 =	vadd.s32 v0, v1  }
0x12d: {  	s12 =	sor.u32 s12, s14;
	[tilespmem:s10+$0x0] =	vst v0;
	s10 =	sadd.s32 $0x10, s9  }
0x12e: {  	s9 =	sadd.s32 $0xFFFFFF20, s9;
	v0 =	vld [tilespmem:s12+$0x0];
	p1 =	sgt.s32 s10, $0xEF  }
0x12f: {  	s10 =	smov.u32 @p1 s9  }
0x130: {  	v63 =	vld [tilespmem:s10+$0x12000];
	_ =	sdelay $0x2  }
0x131: {  	v0 =	vmul.u32 $0x5, v0;
	_ =	sdelay $0x1  }
0x132: {  	v0 =	vadd.s32 v63, v0  }
0x133: {  	s10 =	simm.s32 $0x1000;
	[tilespmem:s12+$0x0] =	vst v0  }
0x134: {  	[tilespmem:s10], [sflag:$0x1] =	stream.indirect.gather [hbm4b:s4+s18], $0x10, s3, s18, $0xb8;
	[tilespmem:$0x12100] =	vst v63  }
0x135: {  	s12 =	simm.s32 $0x1800  }
0x136: {  	[tilespmem:s12], [sflag:$0x1] =	stream.indirect.gather [hbm4b:s4+s18], $0x10, s18, s18, $0xb8;
	[tilespmem:$0x12100] =	vst v63  }
0x137: {  	s15 =	simm.s32 $0x2000;
	s14 =	simm.s32 $0x100  }
0x138: {  	[tilespmem:s15], [sflag:$0x1] =	stream.indirect.gather [hbm4b:s4+s18], $0x10, s14, s18, $0xb8;
	[tilespmem:$0x12100] =	vst v63  }
0x139: {  	s19 =	simm.s32 $0x180;
	s20 =	simm.s32 $0x2800  }
0x13a: {  	[tilespmem:s20], [sflag:$0x1] =	stream.indirect.gather [hbm4b:s4+s18], $0x10, s19, s18, $0xb8;
	[tilespmem:$0x12100] =	vst v63  }
0x13b: {  	s10 =	simm.s32 $0x200;
	s12 =	simm.s32 $0x3000  }
0x13c: {  	[tilespmem:s12], [sflag:$0x1] =	stream.indirect.gather [hbm4b:s4+s18], $0x10, s10, s18, $0xb8;
	[tilespmem:$0x12100] =	vst v63  }
0x13d: {  	s14 =	simm.s32 $0x280;
	s15 =	simm.s32 $0x3800  }
0x13e: {  	[tilespmem:s15], [sflag:$0x1] =	stream.indirect.gather [hbm4b:s4+s18], $0x10, s14, s18, $0xb8;
	[tilespmem:$0x12100] =	vst v63  }
0x13f: {  	s19 =	simm.s32 $0x300;
	s20 =	simm.s32 $0x4000  }
0x140: {  	[tilespmem:s20], [sflag:$0x1] =	stream.indirect.gather [hbm4b:s4+s18], $0x10, s19, s18, $0xb8;
	[tilespmem:$0x12100] =	vst v63  }
0x141: {  	s10 =	simm.s32 $0x380;
	s12 =	simm.s32 $0x4800  }
0x142: {  	[tilespmem:s12], [sflag:$0x1] =	stream.indirect.gather [hbm4b:s4+s18], $0x10, s10, s18, $0xb8;
	[tilespmem:$0x12100] =	vst v63  }
0x143: {  	s14 =	simm.s32 $0x400;
	s15 =	simm.s32 $0x5000  }
0x144: {  	[tilespmem:s15], [sflag:$0x1] =	stream.indirect.gather [hbm4b:s4+s18], $0x10, s14, s18, $0xb8;
	[tilespmem:$0x12100] =	vst v63  }
0x145: {  	s19 =	simm.s32 $0x480;
	s20 =	simm.s32 $0x5800  }
0x146: {  	[tilespmem:s20], [sflag:$0x1] =	stream.indirect.gather [hbm4b:s4+s18], $0x10, s19, s18, $0xb8;
	[tilespmem:$0x12100] =	vst v63  }
0x147: {  	s10 =	simm.s32 $0x500;
	s12 =	simm.s32 $0x6000  }
0x148: {  	[tilespmem:s12], [sflag:$0x1] =	stream.indirect.gather [hbm4b:s4+s18], $0x10, s10, s18, $0xb8;
	[tilespmem:$0x12100] =	vst v63  }
0x149: {  	s14 =	simm.s32 $0x580;
	s15 =	simm.s32 $0x6800  }
0x14a: {  	[tilespmem:s15], [sflag:$0x1] =	stream.indirect.gather [hbm4b:s4+s18], $0x10, s14, s18, $0xb8;
	[tilespmem:$0x12100] =	vst v63  }
0x14b: {  	s19 =	simm.s32 $0x600;
	s20 =	simm.s32 $0x7000  }
0x14c: {  	[tilespmem:s20], [sflag:$0x1] =	stream.indirect.gather [hbm4b:s4+s18], $0x10, s19, s18, $0xb8;
	[tilespmem:$0x12100] =	vst v63  }
0x14d: {  	s10 =	simm.s32 $0x680;
	s12 =	simm.s32 $0x7800  }
0x14e: {  	[tilespmem:s12], [sflag:$0x1] =	stream.indirect.gather [hbm4b:s4+s18], $0x10, s10, s18, $0xb8;
	[tilespmem:$0x12100] =	vst v63  }
0x14f: {  	s14 =	simm.s32 $0x700;
	s15 =	simm.s32 $0x8000  }
0x150: {  	[tilespmem:s15], [sflag:$0x1] =	stream.indirect.gather [hbm4b:s4+s18], $0x10, s14, s18, $0xb8;
	[tilespmem:$0x12100] =	vst v63  }
0x151: {  	s19 =	simm.s32 $0xF00;
	s20 =	simm.s32 $0x10000  }
0x152: {  	[tilespmem:s20], [sflag:$0x1] =	stream.indirect.gather [hbm4b:s5+s18], $0x10, s19, s18, $0xb8;
	[tilespmem:$0x12100] =	vst v63  }
.LBB2_12:
0x153: {  	_ =	swait.ge [sflag:s28], $0x7800  }
0x154: {  	[sflag:s28] =	ssyncset.done $0x0  }
0x155: {  	[sflag:s28] =	ssyncadd.s32 $0xFFFF8800  }
0x156: {  	_ =	swait.ge [sflag:s28], $0x800  }
0x157: {  	[sflag:s28] =	ssyncset.done $0x0  }
0x158: {  	s9 =	simm.s32 @!p0 $0x4;
	[sflag:s28] =	ssyncadd.s32 $0xFFFFF800  }
0x159: {  	_ =	swait.ge @!p0 [sflag:s9], $0x800  }
0x15a: {  	[sflag:s9] =	ssyncset.done @!p0 $0x0  }
0x15b: {  	[sflag:s9] =	ssyncadd.s32 @!p0 $0xFFFFF800;
	s9 =	simm.s32 $0x0  }
0x15c: {  	s10 =	simm.s32 $0x88F0;
	s12 =	simm.s32 $0x80;
	v0 =	vld [tilespmem:s9+$0x10800]  }
.LBB2_13:
0x15d: {  	p0 =	sne.s32 s12, $0x1F80;
	v1 =	vld [tilespmem:s10+$0xFFFFFF10]  }
0x15e: {  	v2 =	vld [tilespmem:s10+$0xFFFFFF20]  }
0x15f: {  	v3 =	vld [tilespmem:s10+$0xFFFFFF30]  }
0x160: {  	v4 =	vld [tilespmem:s10+$0xFFFFFF40]  }
0x161: {  	v5 =	vld [tilespmem:s10+$0xFFFFFF50]  }
0x162: {  	v0 =	vadd.f32 v1, v0;
	v1 =	vld [tilespmem:s10+$0xFFFFFF60]  }
0x163: {  	v6 =	vld [tilespmem:s10+$0xFFFFFF70]  }
0x164: {  	v0 =	vadd.f32 v2, v0;
	v2 =	vld [tilespmem:s10+$0xFFFFFF80]  }
0x165: {  	v7 =	vld [tilespmem:s10+$0xFFFFFF90]  }
0x166: {  	v0 =	vadd.f32 v3, v0;
	v3 =	vld [tilespmem:s10+$0xFFFFFFA0]  }
0x167: {  	v8 =	vld [tilespmem:s10+$0xFFFFFFB0]  }
0x168: {  	v0 =	vadd.f32 v4, v0;
	v4 =	vld [tilespmem:s10+$0xFFFFFFC0]  }
0x169: {  	v9 =	vld [tilespmem:s10+$0xFFFFFFD0]  }
0x16a: {  	v0 =	vadd.f32 v5, v0;
	v5 =	vld [tilespmem:s10+$0xFFFFFFE0]  }
0x16b: {  	v10 =	vld [tilespmem:s10+$0xFFFFFFF0]  }
0x16c: {  	v0 =	vadd.f32 v1, v0;
	_ =	sdelay $0x1  }
0x16d: {  	v0 =	vadd.f32 v6, v0;
	_ =	sdelay $0x1  }
0x16e: {  	v0 =	vadd.f32 v2, v0;
	_ =	sdelay $0x1  }
0x16f: {  	v0 =	vadd.f32 v7, v0;
	_ =	sdelay $0x1  }
0x170: {  	v0 =	vadd.f32 v3, v0;
	_ =	sdelay $0x1  }
0x171: {  	v0 =	vadd.f32 v8, v0;
	_ =	sdelay $0x1  }
0x172: {  	v0 =	vadd.f32 v4, v0;
	_ =	sdelay $0x1  }
0x173: {  	v0 =	vadd.f32 v9, v0;
	_ =	sdelay $0x1  }
0x174: {  	v0 =	vadd.f32 v5, v0;
	_ =	sdelay $0x1  }
0x175: {  	v0 =	vadd.f32 v10, v0;
	_ =	sdelay $0x1  }
0x176: {  	[tilespmem:s9+$0x11800] =	vst v0;
	v0 =	vld [tilespmem:s9+$0x10810]  }
0x177: {  	v1 =	vld [tilespmem:s10+$0x0]  }
0x178: {  	v2 =	vld [tilespmem:s10+$0x10]  }
0x179: {  	v3 =	vld [tilespmem:s10+$0x20]  }
0x17a: {  	v4 =	vld [tilespmem:s10+$0x30]  }
0x17b: {  	v5 =	vld [tilespmem:s10+$0x40]  }
0x17c: {  	v0 =	vadd.f32 v1, v0;
	v1 =	vld [tilespmem:s10+$0x50]  }
0x17d: {  	v6 =	vld [tilespmem:s10+$0x60]  }
0x17e: {  	v0 =	vadd.f32 v2, v0;
	v2 =	vld [tilespmem:s10+$0x70]  }
0x17f: {  	v7 =	vld [tilespmem:s10+$0x80]  }
0x180: {  	v0 =	vadd.f32 v3, v0;
	v3 =	vld [tilespmem:s10+$0x90]  }
0x181: {  	v8 =	vld [tilespmem:s10+$0xA0]  }
0x182: {  	v0 =	vadd.f32 v4, v0;
	v4 =	vld [tilespmem:s10+$0xB0]  }
0x183: {  	v9 =	vld [tilespmem:s10+$0xC0]  }
0x184: {  	v0 =	vadd.f32 v5, v0;
	v5 =	vld [tilespmem:s10+$0xD0]  }
0x185: {  	v10 =	vld [tilespmem:s10+$0xE0]  }
0x186: {  	v0 =	vadd.f32 v1, v0;
	_ =	sdelay $0x1  }
0x187: {  	v0 =	vadd.f32 v6, v0;
	_ =	sdelay $0x1  }
0x188: {  	v0 =	vadd.f32 v2, v0;
	_ =	sdelay $0x1  }
0x189: {  	v0 =	vadd.f32 v7, v0;
	_ =	sdelay $0x1  }
0x18a: {  	v0 =	vadd.f32 v3, v0;
	_ =	sdelay $0x1  }
0x18b: {  	v0 =	vadd.f32 v8, v0;
	_ =	sdelay $0x1  }
0x18c: {  	v0 =	vadd.f32 v4, v0;
	_ =	sdelay $0x1  }
0x18d: {  	v0 =	vadd.f32 v9, v0;
	_ =	sdelay $0x1  }
.Ltmp5:
0x18e: {  	v0 =	vadd.f32 v5, v0;
	(pc) =	sbr.rel @p0 .LBB2_13-.Ltmp5, $4  }
0x18f: {  	_ = 	snop  }
0x190: {  	v1 =	vadd.f32 v10, v0  }
0x191: {  	s14 =	sshra.s32 s12, $0x2  }
0x192: {  	s12 =	sadd.s32 $0x80, s12;
	s10 =	sadd.s32 $0x1E0, s10;
	v0 =	vld [tilespmem:s14+$0x10800];
	[tilespmem:s9+$0x11810] =	vst v1;
	s9 =	smov.u32 s14  }
0x193: {  	v1 =	vld [tilespmem:s10+$0xFFFFFF10];
	_ =	sdelay $0x1  }
0x194: {  	v2 =	vld [tilespmem:s10+$0xFFFFFF20];
	_ =	sdelay $0x1  }
0x195: {  	v3 =	vld [tilespmem:s10+$0xFFFFFF30]  }
0x196: {  	v0 =	vadd.f32 v1, v0  }
0x197: {  	v36 =	vld [tilespmem:s10+$0xFFFFFF40]  }
0x198: {  	v0 =	vadd.f32 v2, v0  }
0x199: {  	v37 =	vld [tilespmem:s10+$0xFFFFFF50]  }
0x19a: {  	v0 =	vadd.f32 v3, v0  }
0x19b: {  	v38 =	vld [tilespmem:s10+$0xFFFFFF60]  }
0x19c: {  	v0 =	vadd.f32 v36, v0  }
0x19d: {  	v39 =	vld [tilespmem:s10+$0xFFFFFF70]  }
0x19e: {  	v0 =	vadd.f32 v37, v0  }
0x19f: {  	v40 =	vld [tilespmem:s10+$0xFFFFFF80]  }
0x1a0: {  	v0 =	vadd.f32 v38, v0  }
0x1a1: {  	v41 =	vld [tilespmem:s10+$0xFFFFFF90]  }
0x1a2: {  	v0 =	vadd.f32 v39, v0  }
0x1a3: {  	v42 =	vld [tilespmem:s10+$0xFFFFFFA0]  }
0x1a4: {  	v0 =	vadd.f32 v40, v0  }
0x1a5: {  	v43 =	vld [tilespmem:s10+$0xFFFFFFB0]  }
0x1a6: {  	v0 =	vadd.f32 v41, v0  }
0x1a7: {  	v44 =	vld [tilespmem:s10+$0xFFFFFFC0]  }
0x1a8: {  	v0 =	vadd.f32 v42, v0  }
0x1a9: {  	v45 =	vld [tilespmem:s10+$0xFFFFFFD0]  }
0x1aa: {  	v0 =	vadd.f32 v43, v0  }
0x1ab: {  	v46 =	vld [tilespmem:s10+$0xFFFFFFE0]  }
0x1ac: {  	v0 =	vadd.f32 v44, v0  }
0x1ad: {  	v47 =	vld [tilespmem:s10+$0xFFFFFFF0]  }
0x1ae: {  	v0 =	vadd.f32 v45, v0;
	_ =	sdelay $0x1  }
0x1af: {  	v0 =	vadd.f32 v46, v0;
	_ =	sdelay $0x1  }
0x1b0: {  	v0 =	vadd.f32 v47, v0;
	_ =	sdelay $0x1  }
0x1b1: {  	v48 =	vld [tilespmem:s9+$0x10810];
	[tilespmem:s9+$0x11800] =	vst v0  }
0x1b2: {  	v49 =	vld [tilespmem:s10+$0x0];
	_ =	sdelay $0x1  }
0x1b3: {  	v50 =	vld [tilespmem:s10+$0x10];
	_ =	sdelay $0x1  }
0x1b4: {  	v51 =	vld [tilespmem:s10+$0x20]  }
0x1b5: {  	v0 =	vadd.f32 v49, v48  }
0x1b6: {  	v52 =	vld [tilespmem:s10+$0x30]  }
0x1b7: {  	v0 =	vadd.f32 v50, v0  }
0x1b8: {  	v53 =	vld [tilespmem:s10+$0x40]  }
0x1b9: {  	v0 =	vadd.f32 v51, v0  }
0x1ba: {  	v54 =	vld [tilespmem:s10+$0x50]  }
0x1bb: {  	v0 =	vadd.f32 v52, v0  }
0x1bc: {  	v55 =	vld [tilespmem:s10+$0x60]  }
0x1bd: {  	v0 =	vadd.f32 v53, v0  }
0x1be: {  	v56 =	vld [tilespmem:s10+$0x70]  }
0x1bf: {  	v0 =	vadd.f32 v54, v0  }
0x1c0: {  	v57 =	vld [tilespmem:s10+$0x80]  }
0x1c1: {  	v0 =	vadd.f32 v55, v0  }
0x1c2: {  	v58 =	vld [tilespmem:s10+$0x90]  }
0x1c3: {  	v0 =	vadd.f32 v56, v0  }
0x1c4: {  	v59 =	vld [tilespmem:s10+$0xA0]  }
0x1c5: {  	v0 =	vadd.f32 v57, v0  }
0x1c6: {  	v60 =	vld [tilespmem:s10+$0xB0]  }
0x1c7: {  	v0 =	vadd.f32 v58, v0  }
0x1c8: {  	v61 =	vld [tilespmem:s10+$0xC0]  }
0x1c9: {  	v0 =	vadd.f32 v59, v0  }
0x1ca: {  	v62 =	vld [tilespmem:s10+$0xD0]  }
0x1cb: {  	v0 =	vadd.f32 v60, v0  }
0x1cc: {  	v63 =	vld [tilespmem:s10+$0xE0]  }
0x1cd: {  	v0 =	vadd.f32 v61, v0  }
0x1ce: {  	s0 =	sadd.s32 $0x1, s0  }
0x1cf: {  	p0 =	sne.s32 s0, $0x10;
	v0 =	vadd.f32 v62, v0  }
.Ltmp6:
0x1d0: {  	s1 =	sshll.u32 s1, $0xB;
	(pc) =	sbr.rel @p0 .LBB2_4-.Ltmp6, $4  }
0x1d1: {  	s1 =	sadd.s32 s13, s1;
	v0 =	vadd.f32 v63, v0  }
0x1d2: {  	s1 =	sshrl.u32 s1, $0x3  }
0x1d3: {  	s1 =	sadd.s32 s2, s1;
	[tilespmem:s9+$0x11810] =	vst v0  }
0x1d4: {  	[hbm4b:s1+s3] =	stream.linear.scatter [tilespmem:s29], [sflag:$0x4], $0x800, $0x38;
	[tilespmem:$0x12100] =	vst v63  }
0x1d5: {  	s0 =	simm.s32 $0x3  }
0x1d6: {  	_ =	swait.ge [sflag:s0], $0x800  }
0x1d7: {  	[sflag:s0] =	ssyncset.done $0x0  }
0x1d8: {  	s1 =	simm.s32 $0x4;
	[sflag:s0] =	ssyncadd.s32 $0xFFFFF800  }
0x1d9: {  	_ =	swait.ge [sflag:s1], $0x800  }
0x1da: {  	s9 =	rddreg [dreg:$0x7]  }
0x1db: {  	s20 =	rddreg [dreg:$0x6];
	s9 =	sadd.s32 $0x1, s9  }
0x1dc: {  	p0 =	sne.s32 s9, s20  }
.Ltmp7:
0x1dd: {  	_ = 	snop;
	(pc) =	sbr.rel @p0 .LBB2_1-.Ltmp7, $3  }
0x1de: {  	_ =	sdelay $0x1  }
0x1df: {  	[sflag:s1] =	ssyncset.done $0x0  }
0x1e0: {  	[sflag:s1] =	ssyncadd.s32 $0xFFFFF800  }
0x1e1: {  	_ =	sfence.sel $0x180000  }
0x1e2: {  	[bflag:$0x0] =	sbarrier.arrive $0xFFFF  }
0x1e3: {  	_ =	strace $0x90000047  }
0x1e4: {  	s0 =	stileid.u32;
	[bflag:$0x2] =	sbarrier.arrive $0xFFFF  }
0x1e5: {  	p0 =	sne.s32 s0, $0x0;
	s0 =	rddreg [dreg:$0x2]  }
0x1e6: {  	s0 =	sadd.s32 @!p0 $0x100000, s0  }
0x1e7: {  	[sflag:s0] =	ssyncadd.tile.s32 @!p0 $0x1;
	_ =	shalt  }
.Lfunc_end2:
_tile_overlayer_lowered:
.L_overlay_start_2:
0x1e8: {  	(tag) =	ssettag $0x2  }
0x1e9: {  	s0 =	rddreg [dreg:$0x0];
	s2 =	stileid.u32  }
0x1ea: {  	s1 =	rddreg [dreg:$0x1];
	p0 =	sne.s32 s2, $0x0  }
0x1eb: {  	s3 =	rddreg [dreg:$0x2];
	[bflag:$0x3] =	sbarrier.arrive $0xFFFF;
	s2 =	simm.s32 @!p0 $0x1C05  }
0x1ec: {  	[timem:s3], [sflag:s2] =	dma.local @!p0 [hbm:s0], s1  }
0x1ed: {  	s0 =	simm.s32 @!p0 $0x5  }
0x1ee: {  	_ =	swait.ge @!p0 [sflag:s0], s1  }
0x1ef: {  	s1 =	ssub.s32 @!p0 $0x0, s1;
	[sflag:s0] =	ssyncset.done @!p0 $0x0  }
0x1f0: {  	[sflag:s0] =	ssyncadd.s32 @!p0 s1  }
0x1f1: {  	[bflag:$0x3] =	sbarrier.arrive $0xFFFF  }
0x1f2: {  	_ =	shalt  }

</sc_bundles>
